<compile_context>
chip_gen: v7x
topology: tpu7x:2x2x1
jax: 0.10.2.dev20260603
libtpu: 0.0.44.dev20260713+nightly
codegen_flags: <defaults>
</compile_context>

<pallas_src>
import functools

import jax
import jax.numpy as jnp
from jax import lax
from jax.experimental import pallas as pl
from jax.experimental.pallas import tpu as pltpu
from jax.experimental.pallas import tpu_sc as plsc

_NUM_FIELDS = 26
_VOCAB = 100000
_DIM = 32
_BATCH = 16384

_NC = 2
_NS = 16
_NW = _NC * _NS
_BPW = _BATCH // _NW
_CHUNK = 128
_NCHUNK = _BPW // _CHUNK


def _gather_body(fv_hbm, tbl_hbm, out_hbm,
                 idx0, idx1, rows0, rows1, gs0, gs1, os0, os1):
    wid = lax.axis_index("s") * _NC + lax.axis_index("c")
    base = wid * _BPW

    def load_fire(f, idx_v, rows_v, gsem):
        pltpu.sync_copy(fv_hbm.at[f, pl.ds(base, _BPW)], idx_v)
        off = jnp.full((16,), f * _VOCAB, dtype=jnp.int32)

        def add_body(i, c):
            sl = pl.ds(i * 16, 16)
            idx_v[sl] = idx_v[sl] + off
            return c

        lax.fori_loop(0, _BPW // 16, add_body, 0)
        for j in range(_NCHUNK):
            sl = pl.ds(j * _CHUNK, _CHUNK)
            pltpu.async_copy(tbl_hbm.at[idx_v.at[sl]], rows_v.at[sl], gsem)

    def drain_fire_out(f, idx_v, rows_v, gsem, osem):
        for j in range(_NCHUNK):
            sl = pl.ds(j * _CHUNK, _CHUNK)
            pltpu.make_async_copy(tbl_hbm.at[idx_v.at[sl]], rows_v.at[sl], gsem).wait()
        pltpu.async_copy(rows_v, out_hbm.at[pl.ds(f * _BATCH + base, _BPW)], osem)

    def wait_out(f, rows_v, osem):
        pltpu.make_async_copy(rows_v, out_hbm.at[pl.ds(f * _BATCH + base, _BPW)], osem).wait()

    load_fire(0, idx0, rows0, gs0)
    load_fire(1, idx1, rows1, gs1)

    def loop_body(i, c):
        f0 = 2 * i
        f1 = f0 + 1
        drain_fire_out(f0, idx0, rows0, gs0, os0)
        drain_fire_out(f1, idx1, rows1, gs1, os1)

        @pl.when(i < _NUM_FIELDS // 2 - 1)
        def _():
            wait_out(f0, rows0, os0)
            load_fire(f0 + 2, idx0, rows0, gs0)
            wait_out(f1, rows1, os1)
            load_fire(f1 + 2, idx1, rows1, gs1)

        return c

    lax.fori_loop(0, _NUM_FIELDS // 2, loop_body, 0)
    wait_out(_NUM_FIELDS - 2, rows0, os0)
    wait_out(_NUM_FIELDS - 1, rows1, os1)


@jax.jit
def _gather(fv_t, tbl_flat):
    mesh = plsc.VectorSubcoreMesh(core_axis_name="c", subcore_axis_name="s")
    return pl.kernel(
        _gather_body,
        mesh=mesh,
        out_type=jax.ShapeDtypeStruct((_NUM_FIELDS * _BATCH, _DIM), jnp.float32),
        scratch_types=[
            pltpu.VMEM((_BPW,), jnp.int32),
            pltpu.VMEM((_BPW,), jnp.int32),
            pltpu.VMEM((_BPW, _DIM), jnp.float32),
            pltpu.VMEM((_BPW, _DIM), jnp.float32),
            pltpu.SemaphoreType.DMA,
            pltpu.SemaphoreType.DMA,
            pltpu.SemaphoreType.DMA,
            pltpu.SemaphoreType.DMA,
        ],
        compiler_params=pltpu.CompilerParams(use_tc_tiling_on_sc=False),
    )(fv_t, tbl_flat)


def kernel(feature_value, tables):
    fv_t = feature_value.T
    tbl_flat = tables.reshape(_NUM_FIELDS * _VOCAB, _DIM)
    out = _gather(fv_t, tbl_flat)
    return out.reshape(_NUM_FIELDS, _BATCH, _DIM)

# --- scband reference (transcript-rebuilt; emitter-appended) ---
"""Pipeline reference for scband-embedding-layer-1228360647192 (READ-ONLY COPY).

The authoritative reference and input builder live on the scoring server;
editing this copy changes nothing except your own understanding.
"""

import jax, jax.numpy as jnp
import numpy as np

NUM_FIELDS = 26
VOCAB = 100000
EMBED_DIM = 32
BATCH = 16384


def setup_inputs(seed: int = 0) -> dict:
    key = jax.random.key(seed)
    k_idx, k_tab = jax.random.split(key)
    feature_value = jax.random.randint(k_idx, (BATCH, NUM_FIELDS), 0, VOCAB, dtype=jnp.int32)
    # One embedding table per sparse field, stacked: tables[i] is the table for field i
    # (matches self.embeddings['f{i}'] = Variable(random_normal(shape=(vocab, dim))))
    tables = jax.random.normal(k_tab, (NUM_FIELDS, VOCAB, EMBED_DIM), dtype=jnp.float32) * 0.05
    return {"feature_value": feature_value, "tables": tables}


def reference(feature_value, tables):
    # Faithful translation of EmbeddingLayer.call:
    #   for i in range(len(feature_names)):
    #       outputs.append(tf.nn.embedding_lookup(self.embeddings[name_i], feature_values[:, i]))
    # Each field i does an embedding gather with its own table; the list of per-field
    # outputs is stacked along axis 0 -> [n_fields, batch, embed_dim].
    outputs = []
    for i in range(tables.shape[0]):
        outputs.append(jnp.take(tables[i], feature_value[:, i], axis=0))
    return jnp.stack(outputs, axis=0)

if __name__ == "__main__":
    import jax
    _d = setup_inputs()
    print(jax.jit(kernel)(*tuple(_d.values())))

</pallas_src>

<mosaic_0001>
#map = affine_map<(d0, d1) -> (0, 0)>
module attributes {stable_mosaic.version = 14 : i64} {
  func.func @_gather_body(%arg0: i32, %arg1: i32, %arg2: memref<26x16384xi32, #tpu.memory_space<hbm>>, %arg3: memref<2600000x32xf32, #tpu.memory_space<hbm>>, %arg4: memref<425984x32xf32, #tpu.memory_space<hbm>>, %arg5: memref<512xi32, #tpu.memory_space<vmem>>, %arg6: memref<512xi32, #tpu.memory_space<vmem>>, %arg7: memref<512x32xf32, #tpu.memory_space<vmem>>, %arg8: memref<512x32xf32, #tpu.memory_space<vmem>>, %arg9: memref<!tpu.dma_semaphore, #tpu.memory_space<semaphore_mem>>, %arg10: memref<!tpu.dma_semaphore, #tpu.memory_space<semaphore_mem>>, %arg11: memref<!tpu.dma_semaphore, #tpu.memory_space<semaphore_mem>>, %arg12: memref<!tpu.dma_semaphore, #tpu.memory_space<semaphore_mem>>) attributes {dimension_semantics = [#tpu.dimension_semantics<core_parallel>, #tpu.dimension_semantics<subcore_parallel>], iteration_bounds = array<i64: 2, 16>, scalar_prefetch = 0 : i64, scratch_operands = 8 : i64, tpu.core_type = #tpu.core_type<sc_vector_subcore>, window_params = [{transform_indices = #map}, {transform_indices = #map}, {transform_indices = #map}]} {
    %mul3A = arith.constant 2 : i32
    %mul3A_0 = arith.muli %arg1, %mul3A : i32
    %add3A = arith.addi %mul3A_0, %arg0 : i32
    %mul3A_1 = arith.constant 512 : i32
    %mul3A_2 = arith.muli %add3A, %mul3A_1 : i32
    %run_scoped3A = arith.constant 0 : i32
    "tpu.region"() ({
      %run_scoped3A_98 = tpu.sem_alloc : memref<!tpu.dma_semaphore, #tpu.memory_space<semaphore_mem>>
      %dma_start3A_99 = tpu.memref_slice %arg2[%run_scoped3A, %mul3A_2] : memref<26x16384xi32, #tpu.memory_space<hbm>> -> memref<1x512xi32, #tpu.memory_space<hbm>>
      %dma_start3A_100 = tpu.memref_squeeze %dma_start3A_99 : memref<1x512xi32, #tpu.memory_space<hbm>> -> memref<512xi32, #tpu.memory_space<hbm>>
      %dma_start3A_101 = tpu.memref_slice %arg2[%run_scoped3A, %mul3A_2] : memref<26x16384xi32, #tpu.memory_space<hbm>> -> memref<1x512xi32, #tpu.memory_space<hbm>>
      %dma_start3A_102 = tpu.memref_squeeze %dma_start3A_101 : memref<1x512xi32, #tpu.memory_space<hbm>> -> memref<512xi32, #tpu.memory_space<hbm>>
      tpu.enqueue_dma source(%dma_start3A_102 : memref<512xi32, #tpu.memory_space<hbm>>) target(%arg5 : memref<512xi32, #tpu.memory_space<vmem>>) target_semaphore(%run_scoped3A_98 : memref<!tpu.dma_semaphore, #tpu.memory_space<semaphore_mem>>)
      %dma_wait3A_103 = tpu.memref_slice %arg2[%run_scoped3A, %mul3A_2] : memref<26x16384xi32, #tpu.memory_space<hbm>> -> memref<1x512xi32, #tpu.memory_space<hbm>>
      %dma_wait3A_104 = tpu.memref_squeeze %dma_wait3A_103 : memref<1x512xi32, #tpu.memory_space<hbm>> -> memref<512xi32, #tpu.memory_space<hbm>>
      %dma_wait3A_105 = tpu.memref_slice %arg2[%run_scoped3A, %mul3A_2] : memref<26x16384xi32, #tpu.memory_space<hbm>> -> memref<1x512xi32, #tpu.memory_space<hbm>>
      %dma_wait3A_106 = tpu.memref_squeeze %dma_wait3A_105 : memref<1x512xi32, #tpu.memory_space<hbm>> -> memref<512xi32, #tpu.memory_space<hbm>>
      tpu.wait_dma2 semaphore(%run_scoped3A_98 : memref<!tpu.dma_semaphore, #tpu.memory_space<semaphore_mem>>) src(%dma_wait3A_106 : memref<512xi32, #tpu.memory_space<hbm>>) dst(%arg5 : memref<512xi32, #tpu.memory_space<vmem>>)
      tpu.yield
    }) : () -> ()
    %broadcast_in_dim3A = arith.constant 0 : i32
    %broadcast_in_dim3A_3 = vector.broadcast %broadcast_in_dim3A : i32 to vector<16xi32>
    %scan3A = arith.constant 0 : i32
    %scan3A_4 = arith.constant 0 : i32
    %scan3A_5 = arith.constant 32 : i32
    %scan3A_6 = arith.addi %scan3A_4, %scan3A_5 : i32
    %scan3A_7 = arith.constant 1 : i32
    scf.for %scan3A_98 = %scan3A_4 to %scan3A_6 step %scan3A_7  : i32 {
      %mul3A_99 = arith.constant 16 : i32
      %mul3A_100 = arith.muli %scan3A_98, %mul3A_99 : i32
      %get3A = arith.index_cast %mul3A_100 : i32 to index
      %get3A_101 = tpu.vector_load %arg5[%get3A] {strides = array<i32>} : memref<512xi32, #tpu.memory_space<vmem>>, vector<16xi32>,
      %get3A_102 = vector.shape_cast %get3A_101 : vector<16xi32> to vector<16xi32>
      %add3A_103 = arith.addi %get3A_102, %broadcast_in_dim3A_3 : vector<16xi32>
      %swap3A = arith.index_cast %mul3A_100 : i32 to index
      %swap3A_104 = tpu.vector_load %arg5[%swap3A] {strides = array<i32>} : memref<512xi32, #tpu.memory_space<vmem>>, vector<16xi32>,
      %swap3A_105 = vector.shape_cast %swap3A_104 : vector<16xi32> to vector<16xi32>
      %swap3A_106 = vector.shape_cast %add3A_103 : vector<16xi32> to vector<16xi32>
      tpu.vector_store %arg5[%swap3A], %swap3A_106 {strides = array<i32>} : memref<512xi32, #tpu.memory_space<vmem>>, vector<16xi32>,
    }
    %scan3A_8 = arith.constant 32 : i32
    %dma_start3A = arith.constant 0 : i32
    %dma_start3A_9 = arith.constant 0 : i32
    %dma_start3A_10 = tpu.memref_slice %arg7[%dma_start3A, %dma_start3A_9] : memref<512x32xf32, #tpu.memory_space<vmem>> -> memref<128x32xf32, #tpu.memory_space<vmem>>
    %dma_start3A_11 = arith.constant 0 : i32
    %dma_start3A_12 = tpu.memref_slice %arg5[%dma_start3A_11] : memref<512xi32, #tpu.memory_space<vmem>> -> memref<128xi32, #tpu.memory_space<vmem>>
    %dma_start3A_13 = arith.constant 0 : i32
    %dma_start3A_14 = arith.constant 0 : i32
    %dma_start3A_15 = tpu.memref_slice %arg3[%dma_start3A_13, %dma_start3A_14] : memref<2600000x32xf32, #tpu.memory_space<hbm>> -> memref<2600000x32xf32, #tpu.memory_space<hbm>>
    tpu.enqueue_indirect_dma source(%dma_start3A_15 : memref<2600000x32xf32, #tpu.memory_space<hbm>>) target(%dma_start3A_10 : memref<128x32xf32, #tpu.memory_space<vmem>>) offsets(%dma_start3A_12 : memref<128xi32, #tpu.memory_space<vmem>>) semaphore(%arg9 : memref<!tpu.dma_semaphore, #tpu.memory_space<semaphore_mem>>)
    %dma_start3A_16 = arith.constant 128 : i32
    %dma_start3A_17 = arith.constant 0 : i32
    %dma_start3A_18 = tpu.memref_slice %arg7[%dma_start3A_16, %dma_start3A_17] : memref<512x32xf32, #tpu.memory_space<vmem>> -> memref<128x32xf32, #tpu.memory_space<vmem>>
    %dma_start3A_19 = arith.constant 128 : i32
    %dma_start3A_20 = tpu.memref_slice %arg5[%dma_start3A_19] : memref<512xi32, #tpu.memory_space<vmem>> -> memref<128xi32, #tpu.memory_space<vmem>>
    %dma_start3A_21 = arith.constant 0 : i32
    %dma_start3A_22 = arith.constant 0 : i32
    %dma_start3A_23 = tpu.memref_slice %arg3[%dma_start3A_21, %dma_start3A_22] : memref<2600000x32xf32, #tpu.memory_space<hbm>> -> memref<2600000x32xf32, #tpu.memory_space<hbm>>
    tpu.enqueue_indirect_dma source(%dma_start3A_23 : memref<2600000x32xf32, #tpu.memory_space<hbm>>) target(%dma_start3A_18 : memref<128x32xf32, #tpu.memory_space<vmem>>) offsets(%dma_start3A_20 : memref<128xi32, #tpu.memory_space<vmem>>) semaphore(%arg9 : memref<!tpu.dma_semaphore, #tpu.memory_space<semaphore_mem>>)
    %dma_start3A_24 = arith.constant 256 : i32
    %dma_start3A_25 = arith.constant 0 : i32
    %dma_start3A_26 = tpu.memref_slice %arg7[%dma_start3A_24, %dma_start3A_25] : memref<512x32xf32, #tpu.memory_space<vmem>> -> memref<128x32xf32, #tpu.memory_space<vmem>>
    %dma_start3A_27 = arith.constant 256 : i32
    %dma_start3A_28 = tpu.memref_slice %arg5[%dma_start3A_27] : memref<512xi32, #tpu.memory_space<vmem>> -> memref<128xi32, #tpu.memory_space<vmem>>
    %dma_start3A_29 = arith.constant 0 : i32
    %dma_start3A_30 = arith.constant 0 : i32
    %dma_start3A_31 = tpu.memref_slice %arg3[%dma_start3A_29, %dma_start3A_30] : memref<2600000x32xf32, #tpu.memory_space<hbm>> -> memref<2600000x32xf32, #tpu.memory_space<hbm>>
    tpu.enqueue_indirect_dma source(%dma_start3A_31 : memref<2600000x32xf32, #tpu.memory_space<hbm>>) target(%dma_start3A_26 : memref<128x32xf32, #tpu.memory_space<vmem>>) offsets(%dma_start3A_28 : memref<128xi32, #tpu.memory_space<vmem>>) semaphore(%arg9 : memref<!tpu.dma_semaphore, #tpu.memory_space<semaphore_mem>>)
    %dma_start3A_32 = arith.constant 384 : i32
    %dma_start3A_33 = arith.constant 0 : i32
    %dma_start3A_34 = tpu.memref_slice %arg7[%dma_start3A_32, %dma_start3A_33] : memref<512x32xf32, #tpu.memory_space<vmem>> -> memref<128x32xf32, #tpu.memory_space<vmem>>
    %dma_start3A_35 = arith.constant 384 : i32
    %dma_start3A_36 = tpu.memref_slice %arg5[%dma_start3A_35] : memref<512xi32, #tpu.memory_space<vmem>> -> memref<128xi32, #tpu.memory_space<vmem>>
    %dma_start3A_37 = arith.constant 0 : i32
    %dma_start3A_38 = arith.constant 0 : i32
    %dma_start3A_39 = tpu.memref_slice %arg3[%dma_start3A_37, %dma_start3A_38] : memref<2600000x32xf32, #tpu.memory_space<hbm>> -> memref<2600000x32xf32, #tpu.memory_space<hbm>>
    tpu.enqueue_indirect_dma source(%dma_start3A_39 : memref<2600000x32xf32, #tpu.memory_space<hbm>>) target(%dma_start3A_34 : memref<128x32xf32, #tpu.memory_space<vmem>>) offsets(%dma_start3A_36 : memref<128xi32, #tpu.memory_space<vmem>>) semaphore(%arg9 : memref<!tpu.dma_semaphore, #tpu.memory_space<semaphore_mem>>)
    %run_scoped3A_40 = arith.constant 1 : i32
    "tpu.region"() ({
      %run_scoped3A_98 = tpu.sem_alloc : memref<!tpu.dma_semaphore, #tpu.memory_space<semaphore_mem>>
      %dma_start3A_99 = tpu.memref_slice %arg2[%run_scoped3A_40, %mul3A_2] : memref<26x16384xi32, #tpu.memory_space<hbm>> -> memref<1x512xi32, #tpu.memory_space<hbm>>
      %dma_start3A_100 = tpu.memref_squeeze %dma_start3A_99 : memref<1x512xi32, #tpu.memory_space<hbm>> -> memref<512xi32, #tpu.memory_space<hbm>>
      %dma_start3A_101 = tpu.memref_slice %arg2[%run_scoped3A_40, %mul3A_2] : memref<26x16384xi32, #tpu.memory_space<hbm>> -> memref<1x512xi32, #tpu.memory_space<hbm>>
      %dma_start3A_102 = tpu.memref_squeeze %dma_start3A_101 : memref<1x512xi32, #tpu.memory_space<hbm>> -> memref<512xi32, #tpu.memory_space<hbm>>
      tpu.enqueue_dma source(%dma_start3A_102 : memref<512xi32, #tpu.memory_space<hbm>>) target(%arg6 : memref<512xi32, #tpu.memory_space<vmem>>) target_semaphore(%run_scoped3A_98 : memref<!tpu.dma_semaphore, #tpu.memory_space<semaphore_mem>>)
      %dma_wait3A_103 = tpu.memref_slice %arg2[%run_scoped3A_40, %mul3A_2] : memref<26x16384xi32, #tpu.memory_space<hbm>> -> memref<1x512xi32, #tpu.memory_space<hbm>>
      %dma_wait3A_104 = tpu.memref_squeeze %dma_wait3A_103 : memref<1x512xi32, #tpu.memory_space<hbm>> -> memref<512xi32, #tpu.memory_space<hbm>>
      %dma_wait3A_105 = tpu.memref_slice %arg2[%run_scoped3A_40, %mul3A_2] : memref<26x16384xi32, #tpu.memory_space<hbm>> -> memref<1x512xi32, #tpu.memory_space<hbm>>
      %dma_wait3A_106 = tpu.memref_squeeze %dma_wait3A_105 : memref<1x512xi32, #tpu.memory_space<hbm>> -> memref<512xi32, #tpu.memory_space<hbm>>
      tpu.wait_dma2 semaphore(%run_scoped3A_98 : memref<!tpu.dma_semaphore, #tpu.memory_space<semaphore_mem>>) src(%dma_wait3A_106 : memref<512xi32, #tpu.memory_space<hbm>>) dst(%arg6 : memref<512xi32, #tpu.memory_space<vmem>>)
      tpu.yield
    }) : () -> ()
    %broadcast_in_dim3A_41 = arith.constant 100000 : i32
    %broadcast_in_dim3A_42 = vector.broadcast %broadcast_in_dim3A_41 : i32 to vector<16xi32>
    %scan3A_43 = arith.constant 0 : i32
    %scan3A_44 = arith.constant 0 : i32
    %scan3A_45 = arith.constant 32 : i32
    %scan3A_46 = arith.addi %scan3A_44, %scan3A_45 : i32
    %scan3A_47 = arith.constant 1 : i32
    scf.for %scan3A_98 = %scan3A_44 to %scan3A_46 step %scan3A_47  : i32 {
      %mul3A_99 = arith.constant 16 : i32
      %mul3A_100 = arith.muli %scan3A_98, %mul3A_99 : i32
      %get3A = arith.index_cast %mul3A_100 : i32 to index
      %get3A_101 = tpu.vector_load %arg6[%get3A] {strides = array<i32>} : memref<512xi32, #tpu.memory_space<vmem>>, vector<16xi32>,
      %get3A_102 = vector.shape_cast %get3A_101 : vector<16xi32> to vector<16xi32>
      %add3A_103 = arith.addi %get3A_102, %broadcast_in_dim3A_42 : vector<16xi32>
      %swap3A = arith.index_cast %mul3A_100 : i32 to index
      %swap3A_104 = tpu.vector_load %arg6[%swap3A] {strides = array<i32>} : memref<512xi32, #tpu.memory_space<vmem>>, vector<16xi32>,
      %swap3A_105 = vector.shape_cast %swap3A_104 : vector<16xi32> to vector<16xi32>
      %swap3A_106 = vector.shape_cast %add3A_103 : vector<16xi32> to vector<16xi32>
      tpu.vector_store %arg6[%swap3A], %swap3A_106 {strides = array<i32>} : memref<512xi32, #tpu.memory_space<vmem>>, vector<16xi32>,
    }
    %scan3A_48 = arith.constant 32 : i32
    %dma_start3A_49 = arith.constant 0 : i32
    %dma_start3A_50 = arith.constant 0 : i32
    %dma_start3A_51 = tpu.memref_slice %arg8[%dma_start3A_49, %dma_start3A_50] : memref<512x32xf32, #tpu.memory_space<vmem>> -> memref<128x32xf32, #tpu.memory_space<vmem>>
    %dma_start3A_52 = arith.constant 0 : i32
    %dma_start3A_53 = tpu.memref_slice %arg6[%dma_start3A_52] : memref<512xi32, #tpu.memory_space<vmem>> -> memref<128xi32, #tpu.memory_space<vmem>>
    %dma_start3A_54 = arith.constant 0 : i32
    %dma_start3A_55 = arith.constant 0 : i32
    %dma_start3A_56 = tpu.memref_slice %arg3[%dma_start3A_54, %dma_start3A_55] : memref<2600000x32xf32, #tpu.memory_space<hbm>> -> memref<2600000x32xf32, #tpu.memory_space<hbm>>
    tpu.enqueue_indirect_dma source(%dma_start3A_56 : memref<2600000x32xf32, #tpu.memory_space<hbm>>) target(%dma_start3A_51 : memref<128x32xf32, #tpu.memory_space<vmem>>) offsets(%dma_start3A_53 : memref<128xi32, #tpu.memory_space<vmem>>) semaphore(%arg10 : memref<!tpu.dma_semaphore, #tpu.memory_space<semaphore_mem>>)
    %dma_start3A_57 = arith.constant 128 : i32
    %dma_start3A_58 = arith.constant 0 : i32
    %dma_start3A_59 = tpu.memref_slice %arg8[%dma_start3A_57, %dma_start3A_58] : memref<512x32xf32, #tpu.memory_space<vmem>> -> memref<128x32xf32, #tpu.memory_space<vmem>>
    %dma_start3A_60 = arith.constant 128 : i32
    %dma_start3A_61 = tpu.memref_slice %arg6[%dma_start3A_60] : memref<512xi32, #tpu.memory_space<vmem>> -> memref<128xi32, #tpu.memory_space<vmem>>
    %dma_start3A_62 = arith.constant 0 : i32
    %dma_start3A_63 = arith.constant 0 : i32
    %dma_start3A_64 = tpu.memref_slice %arg3[%dma_start3A_62, %dma_start3A_63] : memref<2600000x32xf32, #tpu.memory_space<hbm>> -> memref<2600000x32xf32, #tpu.memory_space<hbm>>
    tpu.enqueue_indirect_dma source(%dma_start3A_64 : memref<2600000x32xf32, #tpu.memory_space<hbm>>) target(%dma_start3A_59 : memref<128x32xf32, #tpu.memory_space<vmem>>) offsets(%dma_start3A_61 : memref<128xi32, #tpu.memory_space<vmem>>) semaphore(%arg10 : memref<!tpu.dma_semaphore, #tpu.memory_space<semaphore_mem>>)
    %dma_start3A_65 = arith.constant 256 : i32
    %dma_start3A_66 = arith.constant 0 : i32
    %dma_start3A_67 = tpu.memref_slice %arg8[%dma_start3A_65, %dma_start3A_66] : memref<512x32xf32, #tpu.memory_space<vmem>> -> memref<128x32xf32, #tpu.memory_space<vmem>>
    %dma_start3A_68 = arith.constant 256 : i32
    %dma_start3A_69 = tpu.memref_slice %arg6[%dma_start3A_68] : memref<512xi32, #tpu.memory_space<vmem>> -> memref<128xi32, #tpu.memory_space<vmem>>
    %dma_start3A_70 = arith.constant 0 : i32
    %dma_start3A_71 = arith.constant 0 : i32
    %dma_start3A_72 = tpu.memref_slice %arg3[%dma_start3A_70, %dma_start3A_71] : memref<2600000x32xf32, #tpu.memory_space<hbm>> -> memref<2600000x32xf32, #tpu.memory_space<hbm>>
    tpu.enqueue_indirect_dma source(%dma_start3A_72 : memref<2600000x32xf32, #tpu.memory_space<hbm>>) target(%dma_start3A_67 : memref<128x32xf32, #tpu.memory_space<vmem>>) offsets(%dma_start3A_69 : memref<128xi32, #tpu.memory_space<vmem>>) semaphore(%arg10 : memref<!tpu.dma_semaphore, #tpu.memory_space<semaphore_mem>>)
    %dma_start3A_73 = arith.constant 384 : i32
    %dma_start3A_74 = arith.constant 0 : i32
    %dma_start3A_75 = tpu.memref_slice %arg8[%dma_start3A_73, %dma_start3A_74] : memref<512x32xf32, #tpu.memory_space<vmem>> -> memref<128x32xf32, #tpu.memory_space<vmem>>
    %dma_start3A_76 = arith.constant 384 : i32
    %dma_start3A_77 = tpu.memref_slice %arg6[%dma_start3A_76] : memref<512xi32, #tpu.memory_space<vmem>> -> memref<128xi32, #tpu.memory_space<vmem>>
    %dma_start3A_78 = arith.constant 0 : i32
    %dma_start3A_79 = arith.constant 0 : i32
    %dma_start3A_80 = tpu.memref_slice %arg3[%dma_start3A_78, %dma_start3A_79] : memref<2600000x32xf32, #tpu.memory_space<hbm>> -> memref<2600000x32xf32, #tpu.memory_space<hbm>>
    tpu.enqueue_indirect_dma source(%dma_start3A_80 : memref<2600000x32xf32, #tpu.memory_space<hbm>>) target(%dma_start3A_75 : memref<128x32xf32, #tpu.memory_space<vmem>>) offsets(%dma_start3A_77 : memref<128xi32, #tpu.memory_space<vmem>>) semaphore(%arg10 : memref<!tpu.dma_semaphore, #tpu.memory_space<semaphore_mem>>)
    %scan3A_81 = arith.constant 0 : i32
    %scan3A_82 = arith.constant 0 : i32
    %scan3A_83 = arith.constant 13 : i32
    %scan3A_84 = arith.addi %scan3A_82, %scan3A_83 : i32
    %scan3A_85 = arith.constant 1 : i32
    scf.for %scan3A_98 = %scan3A_82 to %scan3A_84 step %scan3A_85  : i32 {
      %mul3A_99 = arith.constant 2 : i32
      %mul3A_100 = arith.muli %mul3A_99, %scan3A_98 : i32
      %add3A_101 = arith.constant 1 : i32
      %add3A_102 = arith.addi %mul3A_100, %add3A_101 : i32
      %dma_wait3A_103 = arith.constant 0 : i32
      %dma_wait3A_104 = arith.constant 0 : i32
      %dma_wait3A_105 = tpu.memref_slice %arg7[%dma_wait3A_103, %dma_wait3A_104] : memref<512x32xf32, #tpu.memory_space<vmem>> -> memref<128x32xf32, #tpu.memory_space<vmem>>
      %dma_wait3A_106 = arith.constant 0 : i32
      %dma_wait3A_107 = tpu.memref_slice %arg5[%dma_wait3A_106] : memref<512xi32, #tpu.memory_space<vmem>> -> memref<128xi32, #tpu.memory_space<vmem>>
      %dma_wait3A_108 = arith.constant 0 : i32
      %dma_wait3A_109 = arith.constant 0 : i32
      %dma_wait3A_110 = tpu.memref_slice %arg3[%dma_wait3A_108, %dma_wait3A_109] : memref<2600000x32xf32, #tpu.memory_space<hbm>> -> memref<2600000x32xf32, #tpu.memory_space<hbm>>
      tpu.wait_indirect_dma semaphore(%arg9 : memref<!tpu.dma_semaphore, #tpu.memory_space<semaphore_mem>>) src(%dma_wait3A_110 : memref<2600000x32xf32, #tpu.memory_space<hbm>>) dst(%dma_wait3A_105 : memref<128x32xf32, #tpu.memory_space<vmem>>)
      %dma_wait3A_111 = arith.constant 128 : i32
      %dma_wait3A_112 = arith.constant 0 : i32
      %dma_wait3A_113 = tpu.memref_slice %arg7[%dma_wait3A_111, %dma_wait3A_112] : memref<512x32xf32, #tpu.memory_space<vmem>> -> memref<128x32xf32, #tpu.memory_space<vmem>>
      %dma_wait3A_114 = arith.constant 128 : i32
      %dma_wait3A_115 = tpu.memref_slice %arg5[%dma_wait3A_114] : memref<512xi32, #tpu.memory_space<vmem>> -> memref<128xi32, #tpu.memory_space<vmem>>
      %dma_wait3A_116 = arith.constant 0 : i32
      %dma_wait3A_117 = arith.constant 0 : i32
      %dma_wait3A_118 = tpu.memref_slice %arg3[%dma_wait3A_116, %dma_wait3A_117] : memref<2600000x32xf32, #tpu.memory_space<hbm>> -> memref<2600000x32xf32, #tpu.memory_space<hbm>>
      tpu.wait_indirect_dma semaphore(%arg9 : memref<!tpu.dma_semaphore, #tpu.memory_space<semaphore_mem>>) src(%dma_wait3A_118 : memref<2600000x32xf32, #tpu.memory_space<hbm>>) dst(%dma_wait3A_113 : memref<128x32xf32, #tpu.memory_space<vmem>>)
      %dma_wait3A_119 = arith.constant 256 : i32
      %dma_wait3A_120 = arith.constant 0 : i32
      %dma_wait3A_121 = tpu.memref_slice %arg7[%dma_wait3A_119, %dma_wait3A_120] : memref<512x32xf32, #tpu.memory_space<vmem>> -> memref<128x32xf32, #tpu.memory_space<vmem>>
      %dma_wait3A_122 = arith.constant 256 : i32
      %dma_wait3A_123 = tpu.memref_slice %arg5[%dma_wait3A_122] : memref<512xi32, #tpu.memory_space<vmem>> -> memref<128xi32, #tpu.memory_space<vmem>>
      %dma_wait3A_124 = arith.constant 0 : i32
      %dma_wait3A_125 = arith.constant 0 : i32
      %dma_wait3A_126 = tpu.memref_slice %arg3[%dma_wait3A_124, %dma_wait3A_125] : memref<2600000x32xf32, #tpu.memory_space<hbm>> -> memref<2600000x32xf32, #tpu.memory_space<hbm>>
      tpu.wait_indirect_dma semaphore(%arg9 : memref<!tpu.dma_semaphore, #tpu.memory_space<semaphore_mem>>) src(%dma_wait3A_126 : memref<2600000x32xf32, #tpu.memory_space<hbm>>) dst(%dma_wait3A_121 : memref<128x32xf32, #tpu.memory_space<vmem>>)
      %dma_wait3A_127 = arith.constant 384 : i32
      %dma_wait3A_128 = arith.constant 0 : i32
      %dma_wait3A_129 = tpu.memref_slice %arg7[%dma_wait3A_127, %dma_wait3A_128] : memref<512x32xf32, #tpu.memory_space<vmem>> -> memref<128x32xf32, #tpu.memory_space<vmem>>
      %dma_wait3A_130 = arith.constant 384 : i32
      %dma_wait3A_131 = tpu.memref_slice %arg5[%dma_wait3A_130] : memref<512xi32, #tpu.memory_space<vmem>> -> memref<128xi32, #tpu.memory_space<vmem>>
      %dma_wait3A_132 = arith.constant 0 : i32
      %dma_wait3A_133 = arith.constant 0 : i32
      %dma_wait3A_134 = tpu.memref_slice %arg3[%dma_wait3A_132, %dma_wait3A_133] : memref<2600000x32xf32, #tpu.memory_space<hbm>> -> memref<2600000x32xf32, #tpu.memory_space<hbm>>
      tpu.wait_indirect_dma semaphore(%arg9 : memref<!tpu.dma_semaphore, #tpu.memory_space<semaphore_mem>>) src(%dma_wait3A_134 : memref<2600000x32xf32, #tpu.memory_space<hbm>>) dst(%dma_wait3A_129 : memref<128x32xf32, #tpu.memory_space<vmem>>)
      %mul3A_135 = arith.constant 16384 : i32
      %mul3A_136 = arith.muli %mul3A_100, %mul3A_135 : i32
      %add3A_137 = arith.addi %mul3A_136, %mul3A_2 : i32
      %dma_start3A_138 = arith.constant 0 : i32
      %dma_start3A_139 = tpu.memref_slice %arg4[%add3A_137, %dma_start3A_138] : memref<425984x32xf32, #tpu.memory_space<hbm>> -> memref<512x32xf32, #tpu.memory_space<hbm>>
      %dma_start3A_140 = arith.constant 0 : i32
      %dma_start3A_141 = tpu.memref_slice %arg4[%add3A_137, %dma_start3A_140] : memref<425984x32xf32, #tpu.memory_space<hbm>> -> memref<512x32xf32, #tpu.memory_space<hbm>>
      tpu.enqueue_dma source(%arg7 : memref<512x32xf32, #tpu.memory_space<vmem>>) target(%dma_start3A_141 : memref<512x32xf32, #tpu.memory_space<hbm>>) target_semaphore(%arg11 : memref<!tpu.dma_semaphore, #tpu.memory_space<semaphore_mem>>)
      %dma_wait3A_142 = arith.constant 0 : i32
      %dma_wait3A_143 = arith.constant 0 : i32
      %dma_wait3A_144 = tpu.memref_slice %arg8[%dma_wait3A_142, %dma_wait3A_143] : memref<512x32xf32, #tpu.memory_space<vmem>> -> memref<128x32xf32, #tpu.memory_space<vmem>>
      %dma_wait3A_145 = arith.constant 0 : i32
      %dma_wait3A_146 = tpu.memref_slice %arg6[%dma_wait3A_145] : memref<512xi32, #tpu.memory_space<vmem>> -> memref<128xi32, #tpu.memory_space<vmem>>
      %dma_wait3A_147 = arith.constant 0 : i32
      %dma_wait3A_148 = arith.constant 0 : i32
      %dma_wait3A_149 = tpu.memref_slice %arg3[%dma_wait3A_147, %dma_wait3A_148] : memref<2600000x32xf32, #tpu.memory_space<hbm>> -> memref<2600000x32xf32, #tpu.memory_space<hbm>>
      tpu.wait_indirect_dma semaphore(%arg10 : memref<!tpu.dma_semaphore, #tpu.memory_space<semaphore_mem>>) src(%dma_wait3A_149 : memref<2600000x32xf32, #tpu.memory_space<hbm>>) dst(%dma_wait3A_144 : memref<128x32xf32, #tpu.memory_space<vmem>>)
      %dma_wait3A_150 = arith.constant 128 : i32
      %dma_wait3A_151 = arith.constant 0 : i32
      %dma_wait3A_152 = tpu.memref_slice %arg8[%dma_wait3A_150, %dma_wait3A_151] : memref<512x32xf32, #tpu.memory_space<vmem>> -> memref<128x32xf32, #tpu.memory_space<vmem>>
      %dma_wait3A_153 = arith.constant 128 : i32
      %dma_wait3A_154 = tpu.memref_slice %arg6[%dma_wait3A_153] : memref<512xi32, #tpu.memory_space<vmem>> -> memref<128xi32, #tpu.memory_space<vmem>>
      %dma_wait3A_155 = arith.constant 0 : i32
      %dma_wait3A_156 = arith.constant 0 : i32
      %dma_wait3A_157 = tpu.memref_slice %arg3[%dma_wait3A_155, %dma_wait3A_156] : memref<2600000x32xf32, #tpu.memory_space<hbm>> -> memref<2600000x32xf32, #tpu.memory_space<hbm>>
      tpu.wait_indirect_dma semaphore(%arg10 : memref<!tpu.dma_semaphore, #tpu.memory_space<semaphore_mem>>) src(%dma_wait3A_157 : memref<2600000x32xf32, #tpu.memory_space<hbm>>) dst(%dma_wait3A_152 : memref<128x32xf32, #tpu.memory_space<vmem>>)
      %dma_wait3A_158 = arith.constant 256 : i32
      %dma_wait3A_159 = arith.constant 0 : i32
      %dma_wait3A_160 = tpu.memref_slice %arg8[%dma_wait3A_158, %dma_wait3A_159] : memref<512x32xf32, #tpu.memory_space<vmem>> -> memref<128x32xf32, #tpu.memory_space<vmem>>
      %dma_wait3A_161 = arith.constant 256 : i32
      %dma_wait3A_162 = tpu.memref_slice %arg6[%dma_wait3A_161] : memref<512xi32, #tpu.memory_space<vmem>> -> memref<128xi32, #tpu.memory_space<vmem>>
      %dma_wait3A_163 = arith.constant 0 : i32
      %dma_wait3A_164 = arith.constant 0 : i32
      %dma_wait3A_165 = tpu.memref_slice %arg3[%dma_wait3A_163, %dma_wait3A_164] : memref<2600000x32xf32, #tpu.memory_space<hbm>> -> memref<2600000x32xf32, #tpu.memory_space<hbm>>
      tpu.wait_indirect_dma semaphore(%arg10 : memref<!tpu.dma_semaphore, #tpu.memory_space<semaphore_mem>>) src(%dma_wait3A_165 : memref<2600000x32xf32, #tpu.memory_space<hbm>>) dst(%dma_wait3A_160 : memref<128x32xf32, #tpu.memory_space<vmem>>)
      %dma_wait3A_166 = arith.constant 384 : i32
      %dma_wait3A_167 = arith.constant 0 : i32
      %dma_wait3A_168 = tpu.memref_slice %arg8[%dma_wait3A_166, %dma_wait3A_167] : memref<512x32xf32, #tpu.memory_space<vmem>> -> memref<128x32xf32, #tpu.memory_space<vmem>>
      %dma_wait3A_169 = arith.constant 384 : i32
      %dma_wait3A_170 = tpu.memref_slice %arg6[%dma_wait3A_169] : memref<512xi32, #tpu.memory_space<vmem>> -> memref<128xi32, #tpu.memory_space<vmem>>
      %dma_wait3A_171 = arith.constant 0 : i32
      %dma_wait3A_172 = arith.constant 0 : i32
      %dma_wait3A_173 = tpu.memref_slice %arg3[%dma_wait3A_171, %dma_wait3A_172] : memref<2600000x32xf32, #tpu.memory_space<hbm>> -> memref<2600000x32xf32, #tpu.memory_space<hbm>>
      tpu.wait_indirect_dma semaphore(%arg10 : memref<!tpu.dma_semaphore, #tpu.memory_space<semaphore_mem>>) src(%dma_wait3A_173 : memref<2600000x32xf32, #tpu.memory_space<hbm>>) dst(%dma_wait3A_168 : memref<128x32xf32, #tpu.memory_space<vmem>>)
      %mul3A_174 = arith.constant 16384 : i32
      %mul3A_175 = arith.muli %add3A_102, %mul3A_174 : i32
      %add3A_176 = arith.addi %mul3A_175, %mul3A_2 : i32
      %dma_start3A_177 = arith.constant 0 : i32
      %dma_start3A_178 = tpu.memref_slice %arg4[%add3A_176, %dma_start3A_177] : memref<425984x32xf32, #tpu.memory_space<hbm>> -> memref<512x32xf32, #tpu.memory_space<hbm>>
      %dma_start3A_179 = arith.constant 0 : i32
      %dma_start3A_180 = tpu.memref_slice %arg4[%add3A_176, %dma_start3A_179] : memref<425984x32xf32, #tpu.memory_space<hbm>> -> memref<512x32xf32, #tpu.memory_space<hbm>>
      tpu.enqueue_dma source(%arg8 : memref<512x32xf32, #tpu.memory_space<vmem>>) target(%dma_start3A_180 : memref<512x32xf32, #tpu.memory_space<hbm>>) target_semaphore(%arg12 : memref<!tpu.dma_semaphore, #tpu.memory_space<semaphore_mem>>)
      %lt3A = arith.constant 12 : i32
      %lt3A_181 = arith.cmpi slt, %scan3A_98, %lt3A : i32
      %convert_element_type3A = arith.extui %lt3A_181 : i1 to i32
      %cond3A = arith.constant 0 : i32
      %cond3A_182 = arith.cmpi ne, %convert_element_type3A, %cond3A : i32
      scf.if %cond3A_182 {
        %mul3A_183 = arith.constant 16384 : i32
        %mul3A_184 = arith.muli %mul3A_100, %mul3A_183 : i32
        %add3A_185 = arith.addi %mul3A_184, %mul3A_2 : i32
        %dma_wait3A_186 = arith.constant 0 : i32
        %dma_wait3A_187 = tpu.memref_slice %arg4[%add3A_185, %dma_wait3A_186] : memref<425984x32xf32, #tpu.memory_space<hbm>> -> memref<512x32xf32, #tpu.memory_space<hbm>>
        %dma_wait3A_188 = arith.constant 0 : i32
        %dma_wait3A_189 = tpu.memref_slice %arg4[%add3A_185, %dma_wait3A_188] : memref<425984x32xf32, #tpu.memory_space<hbm>> -> memref<512x32xf32, #tpu.memory_space<hbm>>
        tpu.wait_dma2 semaphore(%arg11 : memref<!tpu.dma_semaphore, #tpu.memory_space<semaphore_mem>>) src(%arg7 : memref<512x32xf32, #tpu.memory_space<vmem>>) dst(%dma_wait3A_189 : memref<512x32xf32, #tpu.memory_space<hbm>>)
        %add3A_190 = arith.constant 2 : i32
        %add3A_191 = arith.addi %mul3A_100, %add3A_190 : i32
        "tpu.region"() ({
          %run_scoped3A_283 = tpu.sem_alloc : memref<!tpu.dma_semaphore, #tpu.memory_space<semaphore_mem>>
          %dma_start3A_284 = tpu.memref_slice %arg2[%add3A_191, %mul3A_2] : memref<26x16384xi32, #tpu.memory_space<hbm>> -> memref<1x512xi32, #tpu.memory_space<hbm>>
          %dma_start3A_285 = tpu.memref_squeeze %dma_start3A_284 : memref<1x512xi32, #tpu.memory_space<hbm>> -> memref<512xi32, #tpu.memory_space<hbm>>
          %dma_start3A_286 = tpu.memref_slice %arg2[%add3A_191, %mul3A_2] : memref<26x16384xi32, #tpu.memory_space<hbm>> -> memref<1x512xi32, #tpu.memory_space<hbm>>
          %dma_start3A_287 = tpu.memref_squeeze %dma_start3A_286 : memref<1x512xi32, #tpu.memory_space<hbm>> -> memref<512xi32, #tpu.memory_space<hbm>>
          tpu.enqueue_dma source(%dma_start3A_287 : memref<512xi32, #tpu.memory_space<hbm>>) target(%arg5 : memref<512xi32, #tpu.memory_space<vmem>>) target_semaphore(%run_scoped3A_283 : memref<!tpu.dma_semaphore, #tpu.memory_space<semaphore_mem>>)
          %dma_wait3A_288 = tpu.memref_slice %arg2[%add3A_191, %mul3A_2] : memref<26x16384xi32, #tpu.memory_space<hbm>> -> memref<1x512xi32, #tpu.memory_space<hbm>>
          %dma_wait3A_289 = tpu.memref_squeeze %dma_wait3A_288 : memref<1x512xi32, #tpu.memory_space<hbm>> -> memref<512xi32, #tpu.memory_space<hbm>>
          %dma_wait3A_290 = tpu.memref_slice %arg2[%add3A_191, %mul3A_2] : memref<26x16384xi32, #tpu.memory_space<hbm>> -> memref<1x512xi32, #tpu.memory_space<hbm>>
          %dma_wait3A_291 = tpu.memref_squeeze %dma_wait3A_290 : memref<1x512xi32, #tpu.memory_space<hbm>> -> memref<512xi32, #tpu.memory_space<hbm>>
          tpu.wait_dma2 semaphore(%run_scoped3A_283 : memref<!tpu.dma_semaphore, #tpu.memory_space<semaphore_mem>>) src(%dma_wait3A_291 : memref<512xi32, #tpu.memory_space<hbm>>) dst(%arg5 : memref<512xi32, #tpu.memory_space<vmem>>)
          tpu.yield
        }) : () -> ()
        %mul3A_192 = arith.constant 100000 : i32
        %mul3A_193 = arith.muli %add3A_191, %mul3A_192 : i32
        %broadcast_in_dim3A_194 = vector.broadcast %mul3A_193 : i32 to vector<16xi32>
        %scan3A_195 = arith.constant 0 : i32
        %scan3A_196 = arith.constant 0 : i32
        %scan3A_197 = arith.constant 32 : i32
        %scan3A_198 = arith.addi %scan3A_196, %scan3A_197 : i32
        %scan3A_199 = arith.constant 1 : i32
        scf.for %scan3A_283 = %scan3A_196 to %scan3A_198 step %scan3A_199  : i32 {
          %mul3A_284 = arith.constant 16 : i32
          %mul3A_285 = arith.muli %scan3A_283, %mul3A_284 : i32
          %get3A = arith.index_cast %mul3A_285 : i32 to index
          %get3A_286 = tpu.vector_load %arg5[%get3A] {strides = array<i32>} : memref<512xi32, #tpu.memory_space<vmem>>, vector<16xi32>,
          %get3A_287 = vector.shape_cast %get3A_286 : vector<16xi32> to vector<16xi32>
          %add3A_288 = arith.addi %get3A_287, %broadcast_in_dim3A_194 : vector<16xi32>
          %swap3A = arith.index_cast %mul3A_285 : i32 to index
          %swap3A_289 = tpu.vector_load %arg5[%swap3A] {strides = array<i32>} : memref<512xi32, #tpu.memory_space<vmem>>, vector<16xi32>,
          %swap3A_290 = vector.shape_cast %swap3A_289 : vector<16xi32> to vector<16xi32>
          %swap3A_291 = vector.shape_cast %add3A_288 : vector<16xi32> to vector<16xi32>
          tpu.vector_store %arg5[%swap3A], %swap3A_291 {strides = array<i32>} : memref<512xi32, #tpu.memory_space<vmem>>, vector<16xi32>,
        }
        %scan3A_200 = arith.constant 32 : i32
        %dma_start3A_201 = arith.constant 0 : i32
        %dma_start3A_202 = arith.constant 0 : i32
        %dma_start3A_203 = tpu.memref_slice %arg7[%dma_start3A_201, %dma_start3A_202] : memref<512x32xf32, #tpu.memory_space<vmem>> -> memref<128x32xf32, #tpu.memory_space<vmem>>
        %dma_start3A_204 = arith.constant 0 : i32
        %dma_start3A_205 = tpu.memref_slice %arg5[%dma_start3A_204] : memref<512xi32, #tpu.memory_space<vmem>> -> memref<128xi32, #tpu.memory_space<vmem>>
        %dma_start3A_206 = arith.constant 0 : i32
        %dma_start3A_207 = arith.constant 0 : i32
        %dma_start3A_208 = tpu.memref_slice %arg3[%dma_start3A_206, %dma_start3A_207] : memref<2600000x32xf32, #tpu.memory_space<hbm>> -> memref<2600000x32xf32, #tpu.memory_space<hbm>>
        tpu.enqueue_indirect_dma source(%dma_start3A_208 : memref<2600000x32xf32, #tpu.memory_space<hbm>>) target(%dma_start3A_203 : memref<128x32xf32, #tpu.memory_space<vmem>>) offsets(%dma_start3A_205 : memref<128xi32, #tpu.memory_space<vmem>>) semaphore(%arg9 : memref<!tpu.dma_semaphore, #tpu.memory_space<semaphore_mem>>)
        %dma_start3A_209 = arith.constant 128 : i32
        %dma_start3A_210 = arith.constant 0 : i32
        %dma_start3A_211 = tpu.memref_slice %arg7[%dma_start3A_209, %dma_start3A_210] : memref<512x32xf32, #tpu.memory_space<vmem>> -> memref<128x32xf32, #tpu.memory_space<vmem>>
        %dma_start3A_212 = arith.constant 128 : i32
        %dma_start3A_213 = tpu.memref_slice %arg5[%dma_start3A_212] : memref<512xi32, #tpu.memory_space<vmem>> -> memref<128xi32, #tpu.memory_space<vmem>>
        %dma_start3A_214 = arith.constant 0 : i32
        %dma_start3A_215 = arith.constant 0 : i32
        %dma_start3A_216 = tpu.memref_slice %arg3[%dma_start3A_214, %dma_start3A_215] : memref<2600000x32xf32, #tpu.memory_space<hbm>> -> memref<2600000x32xf32, #tpu.memory_space<hbm>>
        tpu.enqueue_indirect_dma source(%dma_start3A_216 : memref<2600000x32xf32, #tpu.memory_space<hbm>>) target(%dma_start3A_211 : memref<128x32xf32, #tpu.memory_space<vmem>>) offsets(%dma_start3A_213 : memref<128xi32, #tpu.memory_space<vmem>>) semaphore(%arg9 : memref<!tpu.dma_semaphore, #tpu.memory_space<semaphore_mem>>)
        %dma_start3A_217 = arith.constant 256 : i32
        %dma_start3A_218 = arith.constant 0 : i32
        %dma_start3A_219 = tpu.memref_slice %arg7[%dma_start3A_217, %dma_start3A_218] : memref<512x32xf32, #tpu.memory_space<vmem>> -> memref<128x32xf32, #tpu.memory_space<vmem>>
        %dma_start3A_220 = arith.constant 256 : i32
        %dma_start3A_221 = tpu.memref_slice %arg5[%dma_start3A_220] : memref<512xi32, #tpu.memory_space<vmem>> -> memref<128xi32, #tpu.memory_space<vmem>>
        %dma_start3A_222 = arith.constant 0 : i32
        %dma_start3A_223 = arith.constant 0 : i32
        %dma_start3A_224 = tpu.memref_slice %arg3[%dma_start3A_222, %dma_start3A_223] : memref<2600000x32xf32, #tpu.memory_space<hbm>> -> memref<2600000x32xf32, #tpu.memory_space<hbm>>
        tpu.enqueue_indirect_dma source(%dma_start3A_224 : memref<2600000x32xf32, #tpu.memory_space<hbm>>) target(%dma_start3A_219 : memref<128x32xf32, #tpu.memory_space<vmem>>) offsets(%dma_start3A_221 : memref<128xi32, #tpu.memory_space<vmem>>) semaphore(%arg9 : memref<!tpu.dma_semaphore, #tpu.memory_space<semaphore_mem>>)
        %dma_start3A_225 = arith.constant 384 : i32
        %dma_start3A_226 = arith.constant 0 : i32
        %dma_start3A_227 = tpu.memref_slice %arg7[%dma_start3A_225, %dma_start3A_226] : memref<512x32xf32, #tpu.memory_space<vmem>> -> memref<128x32xf32, #tpu.memory_space<vmem>>
        %dma_start3A_228 = arith.constant 384 : i32
        %dma_start3A_229 = tpu.memref_slice %arg5[%dma_start3A_228] : memref<512xi32, #tpu.memory_space<vmem>> -> memref<128xi32, #tpu.memory_space<vmem>>
        %dma_start3A_230 = arith.constant 0 : i32
        %dma_start3A_231 = arith.constant 0 : i32
        %dma_start3A_232 = tpu.memref_slice %arg3[%dma_start3A_230, %dma_start3A_231] : memref<2600000x32xf32, #tpu.memory_space<hbm>> -> memref<2600000x32xf32, #tpu.memory_space<hbm>>
        tpu.enqueue_indirect_dma source(%dma_start3A_232 : memref<2600000x32xf32, #tpu.memory_space<hbm>>) target(%dma_start3A_227 : memref<128x32xf32, #tpu.memory_space<vmem>>) offsets(%dma_start3A_229 : memref<128xi32, #tpu.memory_space<vmem>>) semaphore(%arg9 : memref<!tpu.dma_semaphore, #tpu.memory_space<semaphore_mem>>)
        %mul3A_233 = arith.constant 16384 : i32
        %mul3A_234 = arith.muli %add3A_102, %mul3A_233 : i32
        %add3A_235 = arith.addi %mul3A_234, %mul3A_2 : i32
        %dma_wait3A_236 = arith.constant 0 : i32
        %dma_wait3A_237 = tpu.memref_slice %arg4[%add3A_235, %dma_wait3A_236] : memref<425984x32xf32, #tpu.memory_space<hbm>> -> memref<512x32xf32, #tpu.memory_space<hbm>>
        %dma_wait3A_238 = arith.constant 0 : i32
        %dma_wait3A_239 = tpu.memref_slice %arg4[%add3A_235, %dma_wait3A_238] : memref<425984x32xf32, #tpu.memory_space<hbm>> -> memref<512x32xf32, #tpu.memory_space<hbm>>
        tpu.wait_dma2 semaphore(%arg12 : memref<!tpu.dma_semaphore, #tpu.memory_space<semaphore_mem>>) src(%arg8 : memref<512x32xf32, #tpu.memory_space<vmem>>) dst(%dma_wait3A_239 : memref<512x32xf32, #tpu.memory_space<hbm>>)
        %add3A_240 = arith.constant 2 : i32
        %add3A_241 = arith.addi %add3A_102, %add3A_240 : i32
        "tpu.region"() ({
          %run_scoped3A_283 = tpu.sem_alloc : memref<!tpu.dma_semaphore, #tpu.memory_space<semaphore_mem>>
          %dma_start3A_284 = tpu.memref_slice %arg2[%add3A_241, %mul3A_2] : memref<26x16384xi32, #tpu.memory_space<hbm>> -> memref<1x512xi32, #tpu.memory_space<hbm>>
          %dma_start3A_285 = tpu.memref_squeeze %dma_start3A_284 : memref<1x512xi32, #tpu.memory_space<hbm>> -> memref<512xi32, #tpu.memory_space<hbm>>
          %dma_start3A_286 = tpu.memref_slice %arg2[%add3A_241, %mul3A_2] : memref<26x16384xi32, #tpu.memory_space<hbm>> -> memref<1x512xi32, #tpu.memory_space<hbm>>
          %dma_start3A_287 = tpu.memref_squeeze %dma_start3A_286 : memref<1x512xi32, #tpu.memory_space<hbm>> -> memref<512xi32, #tpu.memory_space<hbm>>
          tpu.enqueue_dma source(%dma_start3A_287 : memref<512xi32, #tpu.memory_space<hbm>>) target(%arg6 : memref<512xi32, #tpu.memory_space<vmem>>) target_semaphore(%run_scoped3A_283 : memref<!tpu.dma_semaphore, #tpu.memory_space<semaphore_mem>>)
          %dma_wait3A_288 = tpu.memref_slice %arg2[%add3A_241, %mul3A_2] : memref<26x16384xi32, #tpu.memory_space<hbm>> -> memref<1x512xi32, #tpu.memory_space<hbm>>
          %dma_wait3A_289 = tpu.memref_squeeze %dma_wait3A_288 : memref<1x512xi32, #tpu.memory_space<hbm>> -> memref<512xi32, #tpu.memory_space<hbm>>
          %dma_wait3A_290 = tpu.memref_slice %arg2[%add3A_241, %mul3A_2] : memref<26x16384xi32, #tpu.memory_space<hbm>> -> memref<1x512xi32, #tpu.memory_space<hbm>>
          %dma_wait3A_291 = tpu.memref_squeeze %dma_wait3A_290 : memref<1x512xi32, #tpu.memory_space<hbm>> -> memref<512xi32, #tpu.memory_space<hbm>>
          tpu.wait_dma2 semaphore(%run_scoped3A_283 : memref<!tpu.dma_semaphore, #tpu.memory_space<semaphore_mem>>) src(%dma_wait3A_291 : memref<512xi32, #tpu.memory_space<hbm>>) dst(%arg6 : memref<512xi32, #tpu.memory_space<vmem>>)
          tpu.yield
        }) : () -> ()
        %mul3A_242 = arith.constant 100000 : i32
        %mul3A_243 = arith.muli %add3A_241, %mul3A_242 : i32
        %broadcast_in_dim3A_244 = vector.broadcast %mul3A_243 : i32 to vector<16xi32>
        %scan3A_245 = arith.constant 0 : i32
        %scan3A_246 = arith.constant 0 : i32
        %scan3A_247 = arith.constant 32 : i32
        %scan3A_248 = arith.addi %scan3A_246, %scan3A_247 : i32
        %scan3A_249 = arith.constant 1 : i32
        scf.for %scan3A_283 = %scan3A_246 to %scan3A_248 step %scan3A_249  : i32 {
          %mul3A_284 = arith.constant 16 : i32
          %mul3A_285 = arith.muli %scan3A_283, %mul3A_284 : i32
          %get3A = arith.index_cast %mul3A_285 : i32 to index
          %get3A_286 = tpu.vector_load %arg6[%get3A] {strides = array<i32>} : memref<512xi32, #tpu.memory_space<vmem>>, vector<16xi32>,
          %get3A_287 = vector.shape_cast %get3A_286 : vector<16xi32> to vector<16xi32>
          %add3A_288 = arith.addi %get3A_287, %broadcast_in_dim3A_244 : vector<16xi32>
          %swap3A = arith.index_cast %mul3A_285 : i32 to index
          %swap3A_289 = tpu.vector_load %arg6[%swap3A] {strides = array<i32>} : memref<512xi32, #tpu.memory_space<vmem>>, vector<16xi32>,
          %swap3A_290 = vector.shape_cast %swap3A_289 : vector<16xi32> to vector<16xi32>
          %swap3A_291 = vector.shape_cast %add3A_288 : vector<16xi32> to vector<16xi32>
          tpu.vector_store %arg6[%swap3A], %swap3A_291 {strides = array<i32>} : memref<512xi32, #tpu.memory_space<vmem>>, vector<16xi32>,
        }
        %scan3A_250 = arith.constant 32 : i32
        %dma_start3A_251 = arith.constant 0 : i32
        %dma_start3A_252 = arith.constant 0 : i32
        %dma_start3A_253 = tpu.memref_slice %arg8[%dma_start3A_251, %dma_start3A_252] : memref<512x32xf32, #tpu.memory_space<vmem>> -> memref<128x32xf32, #tpu.memory_space<vmem>>
        %dma_start3A_254 = arith.constant 0 : i32
        %dma_start3A_255 = tpu.memref_slice %arg6[%dma_start3A_254] : memref<512xi32, #tpu.memory_space<vmem>> -> memref<128xi32, #tpu.memory_space<vmem>>
        %dma_start3A_256 = arith.constant 0 : i32
        %dma_start3A_257 = arith.constant 0 : i32
        %dma_start3A_258 = tpu.memref_slice %arg3[%dma_start3A_256, %dma_start3A_257] : memref<2600000x32xf32, #tpu.memory_space<hbm>> -> memref<2600000x32xf32, #tpu.memory_space<hbm>>
        tpu.enqueue_indirect_dma source(%dma_start3A_258 : memref<2600000x32xf32, #tpu.memory_space<hbm>>) target(%dma_start3A_253 : memref<128x32xf32, #tpu.memory_space<vmem>>) offsets(%dma_start3A_255 : memref<128xi32, #tpu.memory_space<vmem>>) semaphore(%arg10 : memref<!tpu.dma_semaphore, #tpu.memory_space<semaphore_mem>>)
        %dma_start3A_259 = arith.constant 128 : i32
        %dma_start3A_260 = arith.constant 0 : i32
        %dma_start3A_261 = tpu.memref_slice %arg8[%dma_start3A_259, %dma_start3A_260] : memref<512x32xf32, #tpu.memory_space<vmem>> -> memref<128x32xf32, #tpu.memory_space<vmem>>
        %dma_start3A_262 = arith.constant 128 : i32
        %dma_start3A_263 = tpu.memref_slice %arg6[%dma_start3A_262] : memref<512xi32, #tpu.memory_space<vmem>> -> memref<128xi32, #tpu.memory_space<vmem>>
        %dma_start3A_264 = arith.constant 0 : i32
        %dma_start3A_265 = arith.constant 0 : i32
        %dma_start3A_266 = tpu.memref_slice %arg3[%dma_start3A_264, %dma_start3A_265] : memref<2600000x32xf32, #tpu.memory_space<hbm>> -> memref<2600000x32xf32, #tpu.memory_space<hbm>>
        tpu.enqueue_indirect_dma source(%dma_start3A_266 : memref<2600000x32xf32, #tpu.memory_space<hbm>>) target(%dma_start3A_261 : memref<128x32xf32, #tpu.memory_space<vmem>>) offsets(%dma_start3A_263 : memref<128xi32, #tpu.memory_space<vmem>>) semaphore(%arg10 : memref<!tpu.dma_semaphore, #tpu.memory_space<semaphore_mem>>)
        %dma_start3A_267 = arith.constant 256 : i32
        %dma_start3A_268 = arith.constant 0 : i32
        %dma_start3A_269 = tpu.memref_slice %arg8[%dma_start3A_267, %dma_start3A_268] : memref<512x32xf32, #tpu.memory_space<vmem>> -> memref<128x32xf32, #tpu.memory_space<vmem>>
        %dma_start3A_270 = arith.constant 256 : i32
        %dma_start3A_271 = tpu.memref_slice %arg6[%dma_start3A_270] : memref<512xi32, #tpu.memory_space<vmem>> -> memref<128xi32, #tpu.memory_space<vmem>>
        %dma_start3A_272 = arith.constant 0 : i32
        %dma_start3A_273 = arith.constant 0 : i32
        %dma_start3A_274 = tpu.memref_slice %arg3[%dma_start3A_272, %dma_start3A_273] : memref<2600000x32xf32, #tpu.memory_space<hbm>> -> memref<2600000x32xf32, #tpu.memory_space<hbm>>
        tpu.enqueue_indirect_dma source(%dma_start3A_274 : memref<2600000x32xf32, #tpu.memory_space<hbm>>) target(%dma_start3A_269 : memref<128x32xf32, #tpu.memory_space<vmem>>) offsets(%dma_start3A_271 : memref<128xi32, #tpu.memory_space<vmem>>) semaphore(%arg10 : memref<!tpu.dma_semaphore, #tpu.memory_space<semaphore_mem>>)
        %dma_start3A_275 = arith.constant 384 : i32
        %dma_start3A_276 = arith.constant 0 : i32
        %dma_start3A_277 = tpu.memref_slice %arg8[%dma_start3A_275, %dma_start3A_276] : memref<512x32xf32, #tpu.memory_space<vmem>> -> memref<128x32xf32, #tpu.memory_space<vmem>>
        %dma_start3A_278 = arith.constant 384 : i32
        %dma_start3A_279 = tpu.memref_slice %arg6[%dma_start3A_278] : memref<512xi32, #tpu.memory_space<vmem>> -> memref<128xi32, #tpu.memory_space<vmem>>
        %dma_start3A_280 = arith.constant 0 : i32
        %dma_start3A_281 = arith.constant 0 : i32
        %dma_start3A_282 = tpu.memref_slice %arg3[%dma_start3A_280, %dma_start3A_281] : memref<2600000x32xf32, #tpu.memory_space<hbm>> -> memref<2600000x32xf32, #tpu.memory_space<hbm>>
        tpu.enqueue_indirect_dma source(%dma_start3A_282 : memref<2600000x32xf32, #tpu.memory_space<hbm>>) target(%dma_start3A_277 : memref<128x32xf32, #tpu.memory_space<vmem>>) offsets(%dma_start3A_279 : memref<128xi32, #tpu.memory_space<vmem>>) semaphore(%arg10 : memref<!tpu.dma_semaphore, #tpu.memory_space<semaphore_mem>>)
      } else {
      }
    }
    %scan3A_86 = arith.constant 13 : i32
    %add3A_87 = arith.constant 393216 : i32
    %add3A_88 = arith.addi %add3A_87, %mul3A_2 : i32
    %dma_wait3A = arith.constant 0 : i32
    %dma_wait3A_89 = tpu.memref_slice %arg4[%add3A_88, %dma_wait3A] : memref<425984x32xf32, #tpu.memory_space<hbm>> -> memref<512x32xf32, #tpu.memory_space<hbm>>
    %dma_wait3A_90 = arith.constant 0 : i32
    %dma_wait3A_91 = tpu.memref_slice %arg4[%add3A_88, %dma_wait3A_90] : memref<425984x32xf32, #tpu.memory_space<hbm>> -> memref<512x32xf32, #tpu.memory_space<hbm>>
    tpu.wait_dma2 semaphore(%arg11 : memref<!tpu.dma_semaphore, #tpu.memory_space<semaphore_mem>>) src(%arg7 : memref<512x32xf32, #tpu.memory_space<vmem>>) dst(%dma_wait3A_91 : memref<512x32xf32, #tpu.memory_space<hbm>>)
    %add3A_92 = arith.constant 409600 : i32
    %add3A_93 = arith.addi %add3A_92, %mul3A_2 : i32
    %dma_wait3A_94 = arith.constant 0 : i32
    %dma_wait3A_95 = tpu.memref_slice %arg4[%add3A_93, %dma_wait3A_94] : memref<425984x32xf32, #tpu.memory_space<hbm>> -> memref<512x32xf32, #tpu.memory_space<hbm>>
    %dma_wait3A_96 = arith.constant 0 : i32
    %dma_wait3A_97 = tpu.memref_slice %arg4[%add3A_93, %dma_wait3A_96] : memref<425984x32xf32, #tpu.memory_space<hbm>> -> memref<512x32xf32, #tpu.memory_space<hbm>>
    tpu.wait_dma2 semaphore(%arg12 : memref<!tpu.dma_semaphore, #tpu.memory_space<semaphore_mem>>) src(%arg8 : memref<512x32xf32, #tpu.memory_space<vmem>>) dst(%dma_wait3A_97 : memref<512x32xf32, #tpu.memory_space<hbm>>)
    return
  }
}

</mosaic_0001>

<sc_bundles>
// kernel: _gather.3.cloned.1.call-start
scs
__scs_entry_jumppad:
0x0: {  	(pc) =	sbr.rel $0x88, $3  }
0x1: {  	(tag) =	ssettag $0x0;
	lr =	simm.s32 $0x1  }
0x2: {  	[smem:$0x3F9F] =	sst lr;
	_ =	strace $0xD0000000  }
0x3: {  	_ = 	snop  }
0x4: {  	_ = 	snop  }
0x5: {  	_ = 	snop  }
0x6: {  	_ = 	snop  }
0x7: {  	_ = 	snop  }
__scs_overlays_trampoline_lowered:
0x8: {  	[smem:$0x3FAE] =	sst s0  }
0x9: {  	[smem:$0x3FAF] =	sst s1  }
0xa: {  	[smem:$0x3FB0] =	sst s2  }
0xb: {  	[smem:$0x3FB1] =	sst s3  }
0xc: {  	[smem:$0x3FB2] =	sst s4  }
0xd: {  	[smem:$0x3FB3] =	sst s5  }
0xe: {  	[smem:$0x3FB4] =	sst s6  }
0xf: {  	[smem:$0x3FB5] =	sst s7  }
0x10: {  	[smem:$0x3FB6] =	sst s8  }
0x11: {  	[smem:$0x3FB7] =	sst s9;
	s0 =	simm.s32 @!p0 $0x0  }
0x12: {  	s1 =	sld [smem:$0x3F9D];
	s0 =	simm.s32 @p0 $0x1  }
0x13: {  	[smem:$0x3FB8] =	sst s0;
	s0 =	simm.s32 @!p1 $0x0  }
0x14: {  	s2 =	sld [smem:$0x3F9C];
	s0 =	simm.s32 @p1 $0x1  }
0x15: {  	[smem:$0x3FB9] =	sst s0;
	s0 =	simm.s32 @!p2 $0x0  }
0x16: {  	s3 =	sld [smem:$0x3FDB];
	s0 =	simm.s32 @p2 $0x1  }
0x17: {  	s4 =	simm.s32 $0x1BF5;
	[smem:$0x3FBB] =	sst s0  }
0x18: {  	s0 =	sld [smem:$0x3F9E];
	_ =	swait.ge [sflag:s4], $0x0  }
0x19: {  	s7 =	sld [smem:$0x3F9F]  }
0x1a: {  	s8 =	sadd.s32 $0xFFFFE003, lr  }
0x1b: {  	s9 =	sadd.s32 $0xFFFFFEF7, lr;
	s5 =	simm.s32 $0xFFFFFFFF;
	p2 =	slt.u32 s8, $0xFFFFF086  }
0x1c: {  	p1 =	slt.u32 s9, $0xF7A;
	s5 =	simm.s32 @!p2 $0x0  }
0x1d: {  	s5 =	simm.s32 @p1 $0x1;
	p0 =	seq.s32 s7, s2  }
0x1e: {  	s7 =	smul.u32 @!p0 $0xF7A, s2;
	p2 =	seq.s32 @!p0 s5, $0x0  }
0x1f: {  	s9 =	smul.u32 $0xF7A, s1;
	s8 =	simm.s32 @!p0 $0x1BF5;
	p2 =	por !p2, p0  }
0x20: {  	[sflag:s8] =	ssyncset.s32 @!p0 $0xFFFFF086;
	s6 =	sadd.s32 @!p0 s3, s7;
	s7 =	simm.s32 @!p0 $0x108  }
0x21: {  	s3 =	sadd.s32 s3, s9;
	s6 =	sadd.s32 @!p0 $0x88, s6;
	s7 =	simm.s32 @p2 $0x1082  }
0x22: {  	[simem:s7], [sflag:s8] =	dma.local @!p0 [hbm:s6], $0xF7A  }
0x23: {  	s9 =	sor.u32 $0xD0000000, s2;
	s6 =	simm.s32 $0x108;
	_ =	swait.ge @!p0 [sflag:s8], $0x0  }
0x24: {  	s3 =	sadd.s32 $0x88, s3;
	s6 =	simm.s32 @!p1 $0x1082;
	[sflag:s4] =	ssyncset.s32 $0xFFFFF086  }
0x25: {  	[simem:s6], [sflag:s4] =	dma.local [hbm:s3], $0xF7A  }
0x26: {  	[smem:$0x3F9F] =	sst s1;
	(tag) =	ssettag s2;
	_ =	strace s9  }
0x27: {  	s1 =	sld [smem:$0x3FAF]  }
0x28: {  	s2 =	sld [smem:$0x3FB0]  }
0x29: {  	s4 =	sld [smem:$0x3FB2]  }
0x2a: {  	p0 =	seq.s32 s5, $0x0;
	s5 =	sld [smem:$0x3FB3]  }
0x2b: {  	s6 =	sld [smem:$0x3FB4]  }
0x2c: {  	s7 =	sld [smem:$0x3FB5]  }
0x2d: {  	s3 =	simm.s32 $0x108;
	s8 =	sld [smem:$0x3FB6]  }
0x2e: {  	s3 =	simm.s32 @!p0 $0x1082;
	s9 =	sld [smem:$0x3FB7]  }
0x2f: {  	lr =	sadd.s32 s0, s3;
	s0 =	sld [smem:$0x3FAE]  }
0x30: {  	s3 =	sld [smem:$0x3FB1]  }
0x31: {  	[smem:$0x3FBA] =	sst s10  }
0x32: {  	s10 =	sld [smem:$0x3FB8];
	_ =	sdelay $0x3  }
0x33: {  	p0 =	seq.s32 s10, $0x1;
	s10 =	sld [smem:$0x3FBA];
	_ =	sdelay $0x3  }
0x34: {  	[smem:$0x3FBA] =	sst s10  }
0x35: {  	s10 =	sld [smem:$0x3FB9];
	_ =	sdelay $0x3  }
0x36: {  	p1 =	seq.s32 s10, $0x1;
	s10 =	sld [smem:$0x3FBA];
	_ =	sdelay $0x3  }
0x37: {  	[smem:$0x3FBA] =	sst s10  }
0x38: {  	s10 =	sld [smem:$0x3FBB]  }
0x39: {  	_ = 	snop;
	(pc) =	sbr.ind lr, $3  }
0x3a: {  	_ = 	snop  }
0x3b: {  	_ = 	snop  }
0x3c: {  	p2 =	seq.s32 s10, $0x1;
	s10 =	sld [smem:$0x3FBA]  }
0x3d: {  	_ =	shalt  }
0x3e: {  	_ =	shalt  }
0x3f: {  	_ =	shalt  }
0x40: {  	_ =	shalt  }
0x41: {  	_ =	shalt  }
0x42: {  	_ =	shalt  }
0x43: {  	_ =	shalt  }
0x44: {  	_ =	shalt  }
0x45: {  	_ =	shalt  }
0x46: {  	_ =	shalt  }
0x47: {  	_ =	shalt  }
0x48: {  	_ =	shalt  }
0x49: {  	_ =	shalt  }
0x4a: {  	_ =	shalt  }
0x4b: {  	_ =	shalt  }
0x4c: {  	_ =	shalt  }
0x4d: {  	_ =	shalt  }
0x4e: {  	_ =	shalt  }
0x4f: {  	_ =	shalt  }
0x50: {  	_ =	shalt  }
0x51: {  	_ =	shalt  }
0x52: {  	_ =	shalt  }
0x53: {  	_ =	shalt  }
0x54: {  	_ =	shalt  }
0x55: {  	_ =	shalt  }
0x56: {  	_ =	shalt  }
0x57: {  	_ =	shalt  }
0x58: {  	_ =	shalt  }
0x59: {  	_ =	shalt  }
0x5a: {  	_ =	shalt  }
0x5b: {  	_ =	shalt  }
0x5c: {  	_ =	shalt  }
0x5d: {  	_ =	shalt  }
0x5e: {  	_ =	shalt  }
0x5f: {  	_ =	shalt  }
0x60: {  	_ =	shalt  }
0x61: {  	_ =	shalt  }
0x62: {  	_ =	shalt  }
0x63: {  	_ =	shalt  }
0x64: {  	_ =	shalt  }
0x65: {  	_ =	shalt  }
0x66: {  	_ =	shalt  }
0x67: {  	_ =	shalt  }
0x68: {  	_ =	shalt  }
0x69: {  	_ =	shalt  }
0x6a: {  	_ =	shalt  }
0x6b: {  	_ =	shalt  }
0x6c: {  	_ =	shalt  }
0x6d: {  	_ =	shalt  }
0x6e: {  	_ =	shalt  }
0x6f: {  	_ =	shalt  }
0x70: {  	_ =	shalt  }
0x71: {  	_ =	shalt  }
0x72: {  	_ =	shalt  }
0x73: {  	_ =	shalt  }
0x74: {  	_ =	shalt  }
0x75: {  	_ =	shalt  }
0x76: {  	_ =	shalt  }
0x77: {  	_ =	shalt  }
0x78: {  	_ =	shalt  }
0x79: {  	_ =	shalt  }
0x7a: {  	_ =	shalt  }
0x7b: {  	_ =	shalt  }
0x7c: {  	_ =	shalt  }
0x7d: {  	_ =	shalt  }
0x7e: {  	_ =	shalt  }
0x7f: {  	_ =	shalt  }
0x80: {  	_ =	shalt  }
0x81: {  	_ =	shalt  }
0x82: {  	_ =	shalt  }
0x83: {  	_ =	shalt  }
0x84: {  	_ =	shalt  }
0x85: {  	_ =	shalt  }
0x86: {  	_ =	shalt  }
0x87: {  	_ =	shalt  }
.Lfunc_end0:
.L_simem_size_0:
called_computation.1_lowered:
.L_overlay_start_0:
0x88: {  	s2 =	sld [smem:$0x3FD9]  }
0x89: {  	s3 =	sld [smem:$0x3FFE];
	_ =	sdelay $0x1  }
0x8a: {  	s1 =	srdreg.scid  }
0x8b: {  	s0 =	sand.u32 $0x1, s1  }
0x8c: {  	s17 =	sshll.u32 s0, $0xA;
	s2 =	sadd.s32 s3, s2  }
0x8d: {  	s2 =	sadd.s32 s2, s17  }
0x8e: {  	[smem:$0x3FC6] =	sst s2  }
0x8f: {  	_ = 	snop  }
0x90: {  	s2 =	sld [smem:$0x3FD0];
	(tm) =	ssettm $0x1  }
0x91: {  	s18 =	sld [smem:$0x3FFB];
	_ =	sdelay $0x3  }
0x92: {  	_ =	strace s18  }
0x93: {  	s3 =	sld [smem:$0x3FFC];
	_ =	sdelay $0x3  }
0x94: {  	_ =	strace s3  }
0x95: {  	s3 =	sld [smem:$0x3FFD];
	_ =	sdelay $0x3  }
0x96: {  	_ =	strace s3  }
0x97: {  	_ =	strace $0x8FFFFFFF  }
0x98: {  	s19 =	sld [smem:$0x3FDB];
	_ =	sdelay $0x1  }
0x99: {  	s4 =	simm.s32 $_scs_section_size  }
0x9a: {  	s5 =	simm.s32 $_size__tile_overlayer_lowered;
	s6 =	simm.s32 $_tile_overlayer_lowered  }
0x9b: {  	s22 =	simm.s32 $0x1BFF;
	s21 =	sshll.u32 s6, $0x1;
	s3 =	sadd.s32 s4, s19  }
0x9c: {  	s7 =	simm.s32 $0x0;
	s20 =	sshll.u32 s5, $0x1;
	s5 =	sadd.s32 s21, s3  }
0x9d: {  	[timem:s7], [sflag:s22] =	dma.local [hbm:s5], s20  }
0x9e: {  	_ =	swait.ge [sflag:s22], s20  }
0x9f: {  	s4 =	ssub.s32 $0x0, s20;
	[sflag:s22] =	ssyncset.done $0x0  }
0xa0: {  	[sflag:s22] =	ssyncadd.s32 s4;
	_ =	sdelay $0x1  }
0xa1: {  	s23 =	simm.s32 $0x1B8B  }
0xa2: {  	_ =	swait.ge [sflag:s23], $0x1  }
0xa3: {  	[sflag:s23] =	ssyncset.done $0x0  }
0xa4: {  	s25 =	simm.s32 $0x1B8E;
	s24 =	sld [smem:$0x3FFE];
	[sflag:s23] =	ssyncadd.s32 $0xFFFFFFFF  }
0xa5: {  	s26 =	simm.s32 $execute0_lowered;
	[smem:$0x3FD2] =	sst s25  }
0xa6: {  	s5 =	sshll.u32 s26, $0x1;
	_ =	strace $0x80000046;
	[dreg:$0x1] =	wrdreg $0xFFFFFFFF  }
0xa7: {  	s28 =	simm.s32 $_size_execute0_lowered;
	s3 =	sadd.s32 s3, s5;
	[dreg:$0x0] =	wrdreg $0x0  }
0xa8: {  	s5 =	sshll.u32 s28, $0x1;
	[dreg:$0x2] =	wrdreg s3  }
0xa9: {  	[dreg:$0x3] =	wrdreg s5  }
0xaa: {  	[dreg:$0x4] =	wrdreg $0xC0  }
0xab: {  	_ =	task [dreg:s7], $0x5FFFF  }
0xac: {  	[dreg:$0x1] =	wrdreg $0xFFFFFFFF  }
0xad: {  	[dreg:$0x0] =	wrdreg $0x60  }
0xae: {  	[dreg:$0x2] =	wrdreg s24  }
0xaf: {  	[dreg:$0x3] =	wrdreg s2  }
0xb0: {  	[dreg:$0x4] =	wrdreg $0x9  }
0xb1: {  	_ =	task.clear_ibuf [dreg:s7], $0x5FFFF;
	_ =	strace $0x90000046  }
0xb2: {  	s29 =	simm.s32 $0x9;
	_ =	strace $0x80000048  }
0xb3: {  	_ =	swait.ge [sflag:s29], $0x1  }
0xb4: {  	[sflag:s29] =	ssyncadd.s32 $0xFFFFFFFF  }
0xb5: {  	_ =	strace $0x90000048  }
0xb6: {  	_ =	sfence  }
0xb7: {  	s30 =	sld [smem:$0x0];
	_ =	sdelay $0x2  }
0xb8: {  	s31 =	sshll.u32 s1, $0xD;
	s1 =	sshrl.u32 s1, $0x2  }
0xb9: {  	s3 =	sand.u32 $0x4000, s31;
	s1 =	sadd.s32 s1, s30  }
0xba: {  	s0 =	sor.u32 s3, s0;
	s1 =	sshll.u32 s1, $0x11  }
0xbb: {  	s0 =	sor.u32 s1, s0  }
0xbc: {  	s0 =	sadd.s32 $0x8F2B, s0  }
0xbd: {  	[sflag:s0] =	ssyncadd.remote.s32 $0x1  }
0xbe: {  	_ =	sfence.sel $0xFFFF  }
0xbf: {  	[dreg:$0x0] =	wrdreg $0xFFFFFFFF;
	(pc) =	sbr.abs _section_cstart, $3  }
0xc0: {  	[dreg:$0x1] =	wrdreg $0xFFFFFFFF  }
0xc1: {  	_ =	task.clear_ibuf [dreg:s7], $0x2FFFF;
	_ =	strace $0x9FFFFFFF  }
0xc2: {  	(tm) =	ssettm $0x7FFFFFFF  }
0xc3: {  	_ =	shalt  }
tec
execute0_lowered:
.L_overlay_start_1:
0x0: {  	(tag) =	ssettag $0x1  }
0x1: {  	s0 =	rddreg [dreg:$0x0]  }
0x2: {  	s10 =	rddreg [dreg:$0x1]  }
0x3: {  	s1 =	srdreg.scid;
	s2 =	stileid.u32;
	s3 =	simm.s32 $0x0  }
0x4: {  	s12 =	simm.s32 $0x5;
	s13 =	simm.s32 $0x80;
	s14 =	simm.s32 $0x400  }
0x5: {  	s15 =	simm.s32 $0x1400;
	s16 =	simm.s32 $0x100;
	s17 =	simm.s32 $0x2400  }
0x6: {  	s18 =	simm.s32 $0x180;
	s19 =	simm.s32 $0x3400;
	s20 =	simm.s32 $0x200  }
0x7: {  	s21 =	simm.s32 $0x4400;
	s22 =	simm.s32 $0x280;
	s23 =	simm.s32 $0x5400  }
0x8: {  	s28 =	simm.s32 $0x7400;
	s29 =	simm.s32 $0x1;
	s30 =	simm.s32 $0x2  }
0x9: {  	s31 =	simm.s32 $0x3;
	s1 =	sand.u32 $0x1, s1;
	s4 =	sshll.u32 s2, $0xA  }
0xa: {  	[smem:$0x7FF] =	sst s3;
	s7 =	sadd.s32 $0x27ACE00, s0;
	s10 =	sadd.s32 $0x10000, s10  }
0xb: {  	s2 =	simm.s32 $0x0;
	s5 =	sshll.u32 s1, $0x9;
	s1 =	ssub.s32 $0x2, s1  }
0xc: {  	_ =	strace $0x80000047;
	s4 =	sor.u32 s5, s4;
	s5 =	sadd.s32 $0xA00, s0  }
.Ltmp0:
0xd: {  	s8 =	sshrl.u32 s1, $0x1;
	s6 =	sshrl.u32 s4, $0x3;
	(pc) =	sbr.rel .LBB2_1-.Ltmp0, $4  }
0xe: {  	s25 =	ssub.s32 s1, s8;
	s9 =	sshll.u32 s4, $0x2;
	s24 =	sadd.s32 s5, s6  }
0xf: {  	s0 =	smax.u32 s25, $0x1;
	s25 =	simm.s32 $0x6400;
	[dreg:$0x3] =	wrdreg s24  }
0x10: {  	s26 =	sadd.s32 $0x800, s24;
	[dreg:$0x5] =	wrdreg s0;
	s24 =	simm.s32 $0x300  }
0x11: {  	s0 =	simm.s32 $0x4;
	[dreg:$0x4] =	wrdreg s26;
	s26 =	simm.s32 $0x380  }
.LBB2_10:
0x12: {  	_ =	swait.ge [sflag:s0], $0x4000  }
0x13: {  	s2 =	rddreg [dreg:$0x6]  }
0x14: {  	s1 =	rddreg [dreg:$0x5];
	s2 =	sadd.s32 $0x1, s2  }
0x15: {  	p0 =	sne.s32 s2, s1  }
.Ltmp1:
0x16: {  	_ = 	snop;
	(pc) =	sbr.rel @!p0 .LBB2_11-.Ltmp1, $3  }
0x17: {  	_ =	sdelay $0x1  }
0x18: {  	[sflag:s0] =	ssyncset.done $0x0  }
0x19: {  	[sflag:s0] =	ssyncadd.s32 $0xFFFFC000  }
.LBB2_1:
0x1a: {  	[dreg:$0x6] =	wrdreg s2  }
0x1b: {  	s1 =	rddreg [dreg:$0x3]  }
0x1c: {  	[tilespmem:s3], [sflag:$0x5] =	stream.linear.gather [hbm4b:s1+s3], $0x200, $0x38;
	[tilespmem:$0x8400] =	vst v63  }
0x1d: {  	_ =	swait.ge [sflag:s12], $0x200  }
0x1e: {  	[sflag:s12] =	ssyncset.done $0x0  }
0x1f: {  	[sflag:s12] =	ssyncadd.s32 $0xFFFFFE00  }
0x20: {  	[tilespmem:s14], [sflag:$0x1] =	stream.indirect.gather [hbm4b:s7+s13], $0x20, s3, s13, $0xb8;
	[tilespmem:$0x8400] =	vst v63  }
0x21: {  	_ = 	snop  }
0x22: {  	[tilespmem:s15], [sflag:$0x1] =	stream.indirect.gather [hbm4b:s7+s13], $0x20, s13, s13, $0xb8;
	[tilespmem:$0x8400] =	vst v63  }
0x23: {  	_ = 	snop  }
0x24: {  	[tilespmem:s17], [sflag:$0x1] =	stream.indirect.gather [hbm4b:s7+s13], $0x20, s16, s13, $0xb8;
	[tilespmem:$0x8400] =	vst v63  }
0x25: {  	_ = 	snop  }
0x26: {  	[tilespmem:s19], [sflag:$0x1] =	stream.indirect.gather [hbm4b:s7+s13], $0x20, s18, s13, $0xb8;
	[tilespmem:$0x8400] =	vst v63  }
0x27: {  	s11 =	rddreg [dreg:$0x4]  }
0x28: {  	[tilespmem:s20], [sflag:$0x5] =	stream.linear.gather [hbm4b:s11+s3], $0x200, $0x38;
	[tilespmem:$0x8400] =	vst v63  }
0x29: {  	_ =	swait.ge [sflag:s12], $0x200  }
0x2a: {  	[sflag:s12] =	ssyncset.done $0x0  }
0x2b: {  	s8 =	simm.s32 $0x0;
	s6 =	simm.s32 $0x40;
	[sflag:s12] =	ssyncadd.s32 $0xFFFFFE00  }
.LBB2_2:
0x2c: {  	p0 =	sne.s32 s6, $0x7C0;
	v0 =	vld [tilespmem:s8+$0x200];
	_ =	sdelay $0x1  }
.Ltmp2:
0x2d: {  	(pc) =	sbr.rel @p0 .LBB2_2-.Ltmp2, $3  }
0x2e: {  	_ =	sdelay $0x1  }
0x2f: {  	v0 =	vadd.s32 $0x186A0, v0  }
0x30: {  	[tilespmem:s8+$0x200] =	vst v0;
	s8 =	sshra.s32 s6, $0x2;
	s6 =	sadd.s32 $0x40, s6  }
0x31: {  	v0 =	vld [tilespmem:s8+$0x200];
	_ =	sdelay $0x4  }
0x32: {  	v0 =	vadd.s32 $0x186A0, v0  }
0x33: {  	[tilespmem:s8+$0x200] =	vst v0  }
0x34: {  	[tilespmem:s21], [sflag:$0x2] =	stream.indirect.gather [hbm4b:s7+s13], $0x20, s20, s13, $0xb8;
	[tilespmem:$0x8400] =	vst v63  }
0x35: {  	_ = 	snop  }
0x36: {  	[tilespmem:s23], [sflag:$0x2] =	stream.indirect.gather [hbm4b:s7+s13], $0x20, s22, s13, $0xb8;
	[tilespmem:$0x8400] =	vst v63  }
0x37: {  	_ = 	snop  }
0x38: {  	[tilespmem:s25], [sflag:$0x2] =	stream.indirect.gather [hbm4b:s7+s13], $0x20, s24, s13, $0xb8;
	[tilespmem:$0x8400] =	vst v63  }
0x39: {  	s8 =	simm.s32 $0x0  }
0x3a: {  	[tilespmem:s28], [sflag:$0x2] =	stream.indirect.gather [hbm4b:s7+s13], $0x20, s26, s13, $0xb8;
	[tilespmem:$0x8400] =	vst v63  }
.LBB2_4:
0x3b: {  	_ =	swait.ge [sflag:s29], $0x1000  }
0x3c: {  	[sflag:s29] =	ssyncset.done $0x0  }
0x3d: {  	[sflag:s29] =	ssyncadd.s32 $0xFFFFF000  }
0x3e: {  	_ =	swait.ge [sflag:s29], $0x1000  }
0x3f: {  	[sflag:s29] =	ssyncset.done $0x0  }
0x40: {  	[sflag:s29] =	ssyncadd.s32 $0xFFFFF000  }
0x41: {  	_ =	swait.ge [sflag:s29], $0x1000  }
0x42: {  	[sflag:s29] =	ssyncset.done $0x0  }
0x43: {  	[sflag:s29] =	ssyncadd.s32 $0xFFFFF000  }
0x44: {  	_ =	swait.ge [sflag:s29], $0x1000  }
0x45: {  	[sflag:s29] =	ssyncset.done $0x0  }
0x46: {  	s1 =	sshll.u32 s8, $0x11;
	[sflag:s29] =	ssyncadd.s32 $0xFFFFF000  }
0x47: {  	s1 =	sor.u32 s9, s1;
	s2 =	rddreg [dreg:$0x1]  }
0x48: {  	s6 =	sadd.s32 s2, s1  }
0x49: {  	[hbm4b:s6+s3] =	stream.linear.scatter [tilespmem:s14], [sflag:$0x3], $0x4000, $0x38;
	[tilespmem:$0x8400] =	vst v63  }
0x4a: {  	_ =	swait.ge [sflag:s30], $0x1000  }
0x4b: {  	[sflag:s30] =	ssyncset.done $0x0  }
0x4c: {  	[sflag:s30] =	ssyncadd.s32 $0xFFFFF000  }
0x4d: {  	_ =	swait.ge [sflag:s30], $0x1000  }
0x4e: {  	[sflag:s30] =	ssyncset.done $0x0  }
0x4f: {  	[sflag:s30] =	ssyncadd.s32 $0xFFFFF000  }
0x50: {  	_ =	swait.ge [sflag:s30], $0x1000  }
0x51: {  	[sflag:s30] =	ssyncset.done $0x0  }
0x52: {  	[sflag:s30] =	ssyncadd.s32 $0xFFFFF000  }
0x53: {  	_ =	swait.ge [sflag:s30], $0x1000  }
0x54: {  	p0 =	seq.s32 s8, $0xC;
	[sflag:s30] =	ssyncset.done $0x0  }
.Ltmp3:
0x55: {  	s1 =	sadd.s32 s1, s10;
	[sflag:s30] =	ssyncadd.s32 $0xFFFFF000;
	(pc) =	sbr.rel @p0 .LBB2_10-.Ltmp3, $4  }
0x56: {  	[hbm4b:s1+s3] =	stream.linear.scatter [tilespmem:s21], [sflag:$0x4], $0x4000, $0x38;
	[tilespmem:$0x8400] =	vst v63  }
0x57: {  	_ =	swait.ge [sflag:s31], $0x4000  }
0x58: {  	[sflag:s31] =	ssyncset.done $0x0  }
0x59: {  	[sflag:s31] =	ssyncadd.s32 $0xFFFFC000  }
0x5a: {  	s11 =	sshll.u32 s8, $0x1  }
0x5b: {  	s1 =	sadd.s32 $0x2, s11  }
0x5c: {  	s6 =	sshll.u32 s1, $0xE  }
0x5d: {  	s6 =	sor.u32 s4, s6  }
0x5e: {  	s6 =	sshrl.u32 s6, $0x3  }
0x5f: {  	s2 =	simm.s32 $0x0;
	s6 =	sadd.s32 s5, s6  }
0x60: {  	[tilespmem:s2], [sflag:$0x5] =	stream.linear.gather [hbm4b:s6+s2], $0x200, $0x38;
	[tilespmem:$0x8400] =	vst v63  }
0x61: {  	s1 =	smul.u32 $0x186A0, s1;
	_ =	swait.ge [sflag:s12], $0x200  }
0x62: {  	[sflag:s12] =	ssyncset.done $0x0  }
0x63: {  	v0 =	vmov s1;
	s1 =	simm.s32 $0x40;
	s6 =	simm.s32 $0x0;
	[sflag:s12] =	ssyncadd.s32 $0xFFFFFE00  }
.LBB2_6:
0x64: {  	p0 =	sne.s32 s1, $0x7C0;
	v1 =	vld [tilespmem:s6+$0x0];
	_ =	sdelay $0x1  }
.Ltmp4:
0x65: {  	(pc) =	sbr.rel @p0 .LBB2_6-.Ltmp4, $3  }
0x66: {  	_ =	sdelay $0x1  }
0x67: {  	v1 =	vadd.s32 v0, v1  }
0x68: {  	[tilespmem:s6+$0x0] =	vst v1;
	s6 =	sshra.s32 s1, $0x2;
	s1 =	sadd.s32 $0x40, s1  }
0x69: {  	v1 =	vld [tilespmem:s6+$0x0];
	_ =	sdelay $0x4  }
0x6a: {  	v0 =	vadd.s32 v0, v1  }
0x6b: {  	s1 =	simm.s32 $0x0;
	[tilespmem:s6+$0x0] =	vst v0  }
0x6c: {  	[tilespmem:s14], [sflag:$0x1] =	stream.indirect.gather [hbm4b:s7+s13], $0x20, s1, s13, $0xb8;
	[tilespmem:$0x8400] =	vst v63  }
0x6d: {  	_ = 	snop  }
0x6e: {  	[tilespmem:s15], [sflag:$0x1] =	stream.indirect.gather [hbm4b:s7+s13], $0x20, s13, s13, $0xb8;
	[tilespmem:$0x8400] =	vst v63  }
0x6f: {  	s2 =	sadd.s32 $0x3, s11  }
0x70: {  	[tilespmem:s17], [sflag:$0x1] =	stream.indirect.gather [hbm4b:s7+s13], $0x20, s16, s13, $0xb8;
	[tilespmem:$0x8400] =	vst v63  }
0x71: {  	s11 =	sshll.u32 s2, $0xE  }
0x72: {  	[tilespmem:s19], [sflag:$0x1] =	stream.indirect.gather [hbm4b:s7+s13], $0x20, s18, s13, $0xb8;
	[tilespmem:$0x8400] =	vst v63  }
0x73: {  	s6 =	sor.u32 s4, s11;
	_ =	swait.ge [sflag:s0], $0x4000  }
0x74: {  	s6 =	sshrl.u32 s6, $0x3;
	[sflag:s0] =	ssyncset.done $0x0  }
0x75: {  	s6 =	sadd.s32 s5, s6;
	[sflag:s0] =	ssyncadd.s32 $0xFFFFC000  }
0x76: {  	[tilespmem:s20], [sflag:$0x5] =	stream.linear.gather [hbm4b:s6+s1], $0x200, $0x38;
	[tilespmem:$0x8400] =	vst v63  }
0x77: {  	s11 =	smul.u32 $0x186A0, s2;
	_ =	swait.ge [sflag:s12], $0x200  }
0x78: {  	[sflag:s12] =	ssyncset.done $0x0  }
0x79: {  	v0 =	vmov s11;
	s6 =	simm.s32 $0x0;
	s1 =	simm.s32 $0x40;
	[sflag:s12] =	ssyncadd.s32 $0xFFFFFE00  }
.LBB2_8:
0x7a: {  	p0 =	sne.s32 s1, $0x7C0;
	v1 =	vld [tilespmem:s6+$0x200];
	_ =	sdelay $0x1  }
.Ltmp5:
0x7b: {  	(pc) =	sbr.rel @p0 .LBB2_8-.Ltmp5, $3  }
0x7c: {  	_ =	sdelay $0x1  }
0x7d: {  	v1 =	vadd.s32 v0, v1  }
0x7e: {  	[tilespmem:s6+$0x200] =	vst v1;
	s6 =	sshra.s32 s1, $0x2;
	s1 =	sadd.s32 $0x40, s1  }
0x7f: {  	v1 =	vld [tilespmem:s6+$0x200];
	_ =	sdelay $0x4  }
0x80: {  	v0 =	vadd.s32 v0, v1  }
0x81: {  	[tilespmem:s6+$0x200] =	vst v0  }
0x82: {  	[tilespmem:s21], [sflag:$0x2] =	stream.indirect.gather [hbm4b:s7+s13], $0x20, s20, s13, $0xb8;
	[tilespmem:$0x8400] =	vst v63  }
0x83: {  	_ = 	snop  }
0x84: {  	[tilespmem:s23], [sflag:$0x2] =	stream.indirect.gather [hbm4b:s7+s13], $0x20, s22, s13, $0xb8;
	[tilespmem:$0x8400] =	vst v63  }
.Ltmp6:
0x85: {  	_ = 	snop;
	(pc) =	sbr.rel .LBB2_4-.Ltmp6, $4  }
0x86: {  	_ = 	snop  }
0x87: {  	[tilespmem:s25], [sflag:$0x2] =	stream.indirect.gather [hbm4b:s7+s13], $0x20, s24, s13, $0xb8;
	[tilespmem:$0x8400] =	vst v63  }
0x88: {  	s8 =	sadd.s32 $0x1, s8  }
0x89: {  	[tilespmem:s28], [sflag:$0x2] =	stream.indirect.gather [hbm4b:s7+s13], $0x20, s26, s13, $0xb8;
	[tilespmem:$0x8400] =	vst v63  }
.LBB2_11:
0x8a: {  	_ =	sfence.sel $0x180000  }
0x8b: {  	[bflag:$0x0] =	sbarrier.arrive $0xFFFF  }
0x8c: {  	_ =	strace $0x90000047  }
0x8d: {  	s0 =	stileid.u32;
	[bflag:$0x2] =	sbarrier.arrive $0xFFFF  }
0x8e: {  	p0 =	sne.s32 s0, $0x0;
	s0 =	rddreg [dreg:$0x2]  }
0x8f: {  	s0 =	sadd.s32 @!p0 $0x100000, s0  }
0x90: {  	[sflag:s0] =	ssyncadd.tile.s32 @!p0 $0x1;
	_ =	shalt  }
.Lfunc_end2:
_tile_overlayer_lowered:
.L_overlay_start_2:
0x91: {  	(tag) =	ssettag $0x2  }
0x92: {  	s0 =	rddreg [dreg:$0x0];
	s2 =	stileid.u32  }
0x93: {  	s1 =	rddreg [dreg:$0x1];
	p0 =	sne.s32 s2, $0x0  }
0x94: {  	s3 =	rddreg [dreg:$0x2];
	[bflag:$0x3] =	sbarrier.arrive $0xFFFF;
	s2 =	simm.s32 @!p0 $0x1C05  }
0x95: {  	[timem:s3], [sflag:s2] =	dma.local @!p0 [hbm:s0], s1  }
0x96: {  	s0 =	simm.s32 @!p0 $0x5  }
0x97: {  	_ =	swait.ge @!p0 [sflag:s0], s1  }
0x98: {  	s1 =	ssub.s32 @!p0 $0x0, s1;
	[sflag:s0] =	ssyncset.done @!p0 $0x0  }
0x99: {  	[sflag:s0] =	ssyncadd.s32 @!p0 s1  }
0x9a: {  	[bflag:$0x3] =	sbarrier.arrive $0xFFFF  }
0x9b: {  	_ =	shalt  }

// kernel: sparse-core-data-format-call.cloned.1.call-start
scs
called_computation_lowered:
.L_overlay_start_0:
0x0: {  	s2 =	sld [smem:$0x3FD9]  }
0x1: {  	s3 =	sld [smem:$0x3FFE];
	_ =	sdelay $0x1  }
0x2: {  	s1 =	srdreg.scid  }
0x3: {  	s0 =	sand.u32 $0x1, s1  }
0x4: {  	s18 =	sshll.u32 s0, $0xA;
	s2 =	sadd.s32 s3, s2  }
0x5: {  	s2 =	sadd.s32 s2, s18  }
0x6: {  	[smem:$0x3FC6] =	sst s2  }
0x7: {  	_ = 	snop  }
0x8: {  	s2 =	sld [smem:$0x3FD0];
	(tm) =	ssettm $0x1  }
0x9: {  	s19 =	sld [smem:$0x3FFB];
	_ =	sdelay $0x3  }
0xa: {  	_ =	strace s19  }
0xb: {  	s3 =	sld [smem:$0x3FFC];
	_ =	sdelay $0x3  }
0xc: {  	_ =	strace s3  }
0xd: {  	s3 =	sld [smem:$0x3FFD];
	_ =	sdelay $0x3  }
0xe: {  	_ =	strace s3  }
0xf: {  	_ =	strace $0x8FFFFFFF  }
0x10: {  	s20 =	sld [smem:$0x3FDB];
	_ =	sdelay $0x1  }
0x11: {  	s4 =	simm.s32 $_scs_section_size  }
0x12: {  	s5 =	simm.s32 $_size__tile_overlayer_lowered;
	s6 =	simm.s32 $_tile_overlayer_lowered  }
0x13: {  	s23 =	simm.s32 $0x1BFF;
	s22 =	sshll.u32 s6, $0x1;
	s3 =	sadd.s32 s4, s20  }
0x14: {  	s7 =	simm.s32 $0x0;
	s21 =	sshll.u32 s5, $0x1;
	s5 =	sadd.s32 s22, s3  }
0x15: {  	[timem:s7], [sflag:s23] =	dma.local [hbm:s5], s21  }
0x16: {  	_ =	swait.ge [sflag:s23], s21  }
0x17: {  	s4 =	ssub.s32 $0x0, s21;
	[sflag:s23] =	ssyncset.done $0x0  }
0x18: {  	[sflag:s23] =	ssyncadd.s32 s4;
	_ =	sdelay $0x1  }
0x19: {  	s24 =	simm.s32 $0x1B8B  }
0x1a: {  	_ =	swait.ge [sflag:s24], $0x1  }
0x1b: {  	[sflag:s24] =	ssyncset.done $0x0  }
0x1c: {  	s26 =	simm.s32 $0x1B8E;
	s25 =	sld [smem:$0x3FFE];
	[sflag:s24] =	ssyncadd.s32 $0xFFFFFFFF  }
0x1d: {  	s27 =	simm.s32 $execute0_lowered;
	[smem:$0x3FD2] =	sst s26  }
0x1e: {  	s5 =	sshll.u32 s27, $0x1;
	_ =	strace $0x80000049;
	[dreg:$0x1] =	wrdreg $0xFFFFFFFF  }
0x1f: {  	s28 =	simm.s32 $_size_execute0_lowered;
	s3 =	sadd.s32 s3, s5;
	[dreg:$0x0] =	wrdreg $0x0  }
0x20: {  	s5 =	sshll.u32 s28, $0x1;
	[dreg:$0x2] =	wrdreg s3  }
0x21: {  	[dreg:$0x3] =	wrdreg s5  }
0x22: {  	[dreg:$0x4] =	wrdreg $0xC0  }
0x23: {  	_ =	task [dreg:s7], $0x5FFFF  }
0x24: {  	[dreg:$0x1] =	wrdreg $0xFFFFFFFF  }
0x25: {  	[dreg:$0x0] =	wrdreg $0x60  }
0x26: {  	[dreg:$0x2] =	wrdreg s25  }
0x27: {  	[dreg:$0x3] =	wrdreg s2  }
0x28: {  	[dreg:$0x4] =	wrdreg $0x9  }
0x29: {  	_ =	task.clear_ibuf [dreg:s7], $0x5FFFF;
	_ =	strace $0x90000049  }
0x2a: {  	s29 =	simm.s32 $0x9;
	_ =	strace $0x8000004B  }
0x2b: {  	_ =	swait.ge [sflag:s29], $0x1  }
0x2c: {  	[sflag:s29] =	ssyncadd.s32 $0xFFFFFFFF  }
0x2d: {  	_ =	strace $0x9000004B  }
0x2e: {  	_ =	sfence  }
0x2f: {  	s30 =	sld [smem:$0x0];
	_ =	sdelay $0x2  }
0x30: {  	s31 =	sshll.u32 s1, $0xD;
	s1 =	sshrl.u32 s1, $0x2  }
0x31: {  	s3 =	sand.u32 $0x4000, s31;
	s1 =	sadd.s32 s1, s30  }
0x32: {  	s0 =	sor.u32 s3, s0;
	s1 =	sshll.u32 s1, $0x11  }
0x33: {  	s0 =	sor.u32 s1, s0  }
0x34: {  	s0 =	sadd.s32 $0x8F2B, s0  }
0x35: {  	[sflag:s0] =	ssyncadd.remote.s32 $0x1  }
0x36: {  	_ =	sfence.sel $0xFFFF  }
0x37: {  	[dreg:$0x0] =	wrdreg $0xFFFFFFFF;
	(pc) =	sbr.abs _section_cstart, $3  }
0x38: {  	[dreg:$0x1] =	wrdreg $0xFFFFFFFF  }
0x39: {  	_ =	task.clear_ibuf [dreg:s7], $0x2FFFF;
	_ =	strace $0x9FFFFFFF  }
0x3a: {  	(tm) =	ssettm $0x7FFFFFFF  }
0x3b: {  	_ =	shalt  }
tec
execute0_lowered:
.L_overlay_start_1:
0x0: {  	(tag) =	ssettag $0x1  }
0x1: {  	s0 =	srdreg.scid  }
0x2: {  	s1 =	sshll.u32 s0, $0x4  }
0x3: {  	s4 =	rddreg [dreg:$0x0];
	s0 =	stileid.u32;
	s1 =	sand.u32 $0x10, s1  }
0x4: {  	s2 =	rddreg [dreg:$0x1];
	s7 =	simm.s32 $0x1;
	s1 =	sor.u32 s0, s1  }
0x5: {  	s8 =	simm.s32 $0x2;
	s11 =	simm.s32 $0x0;
	s3 =	sshll.u32 s1, $0x7  }
0x6: {  	s10 =	simm.s32 $0x0;
	s4 =	sadd.s32 $0xA00, s4;
	s6 =	ssub.s32 $0x68000, s3  }
.Ltmp0:
0x7: {  	s1 =	rddreg [dreg:$0x2];
	s5 =	sand.u32 $0xF80, s6;
	(pc) =	sbr.rel .LBB1_1-.Ltmp0, $4  }
0x8: {  	_ =	strace $0x8000004A;
	s9 =	smov.u32 s3;
	p0 =	sne.s32 s5, $0x0  }
0x9: {  	s6 =	sshrl.u32 s6, $0xC;
	s5 =	simm.s32 $0x1;
	s7 =	simm.s32 @!p0 $0x0  }
0xa: {  	[sflag:s5] =	ssyncpa.u1 $0x0;
	p0 =	por $0x0, $0x0;
	s6 =	sadd.s32 s7, s6  }
0xb: {  	[sflag:s8] =	ssyncpa.u1 $0x0;
	s8 =	simm.s32 $0x340000;
	s7 =	sadd.s32 $0x1, s6  }
.LBB1_4:
0xc: {  	s14 =	sshll.u32 s11, $0x3  }
0xd: {  	s30 =	sand.u32 $0x7F, s11;
	s15 =	sand.u32 $0xFFFFFC00, s14  }
0xe: {  	s11 =	sor.u32 s30, s15  }
0xf: {  	s15 =	smulhi.u32 $0x4EC4EC4F, s11  }
0x10: {  	s14 =	smulhi.u32 $0x4EC4EC4F, s14  }
0x11: {  	s15 =	sshrl.u32 s15, $0x11  }
0x12: {  	s14 =	sshrl.u32 s14, $0x11;
	s15 =	smul.u32 $0x68000, s15  }
0x13: {  	s14 =	sand.u32 $0x1F, s14  }
0x14: {  	s14 =	smul.u32 $0xD000, s14;
	s11 =	ssub.s32 s11, s15  }
0x15: {  	s15 =	sand.u32 $0x7, s11  }
0x16: {  	s14 =	sadd.s32 s2, s14;
	s11 =	sshrl.u32 s11, $0x3;
	s15 =	sshll.u32 s15, $0x12  }
0x17: {  	[tilespmem:s13+$0x0 ss:$0x81] =	vst.msk $0xffff, v0;
	s11 =	sadd.s32 s11, s14;
	s31 =	sor.u32 $0x400, s15  }
0x18: {  	[hbm4b:s11+s31] =	stream.strided.scatter [tilespmem:s12], [sflag:$0x2], $0x1000, s8, s31, $0x20;
	[tilespmem:$0x4040] =	vst v63  }
.LBB1_5:
0x19: {  	s13 =	sadd.s32 $0x1000, s9  }
0x1a: {  	p2 =	sgt.s32 s13, $0x67FFF  }
0x1b: {  	s13 =	smov.u32 @p2 s3;
	p2 =	sne.s32 s10, s7  }
.Ltmp1:
0x1c: {  	p1 =	slt.u32 s10, $0x2;
	(pc) =	sbr.rel @!p2 .LBB1_6-.Ltmp1, $4  }
0x1d: {  	s12 =	simm.s32 @!p1 $0x2  }
0x1e: {  	s14 =	sadd.s32 $0x1, s10;
	_ =	swait.ge @!p1 [sflag:s12], $0x1000  }
0x1f: {  	s11 =	smov.u32 s9;
	p0 =	por !p0, !p0;
	[sflag:s12] =	ssyncset.done @!p1 $0x0  }
0x20: {  	s10 =	smov.u32 s14;
	s9 =	smov.u32 s13;
	[sflag:s12] =	ssyncadd.s32 @!p1 $0xFFFFF000  }
.LBB1_1:
0x21: {  	p1 =	sge.u32 s10, s6  }
0x22: {  	s12 =	sand.u32 @!p1 $0x1FFFFFF, s9  }
0x23: {  	s13 =	smulhi.u32 @!p1 $0x2762763, s12;
	_ =	sdelay $0x1  }
0x24: {  	s13 =	sshrl.u32 @!p1 s13, $0xC  }
0x25: {  	s13 =	smul.u32 @!p1 $0x68000, s13;
	_ =	sdelay $0x1  }
0x26: {  	s31 =	sadd.s32 $0xFFFFFFFF, s10;
	s14 =	sxor.u32 @!p1 $0xFFFFFFFF, s10;
	s12 =	ssub.s32 @!p1 s12, s13  }
0x27: {  	s15 =	simm.s32 @!p1 $0x80;
	s14 =	sshll.u32 @!p1 s14, $0xC;
	s12 =	sshll.u32 @!p1 s12, $0x4  }
0x28: {  	s13 =	sand.u32 @!p1 $0x1000, s14;
	s14 =	simm.s32 @!p1 $0x20;
	s12 =	sadd.s32 @!p1 s4, s12  }
0x29: {  	[tilespmem:s13], [sflag:$0x1] =	stream.strided.gather @!p1 [hbm4b:s12+s14], $0x1000, s15, s14, $0x38;
	[tilespmem:$0x4040] =	vst v63  }
0x2a: {  	p1 =	sge.u32 s31, s6  }
.Ltmp2:
0x2b: {  	_ = 	snop;
	(pc) =	sbr.rel @p1 .LBB1_5-.Ltmp2, $1  }
0x2c: {  	_ =	sdelay $0x3  }
0x2d: {  	s12 =	simm.s32 $0x1  }
0x2e: {  	_ =	swait.ge [sflag:s5], $0x1000;
	s12 =	simm.s32 @!p0 $0x0  }
0x2f: {  	[sflag:s5] =	ssyncset.done $0x0;
	s13 =	sshll.u32 s12, $0xC  }
0x30: {  	[sflag:s5] =	ssyncadd.s32 $0xFFFFF000;
	s16 =	sor.u32 $0x10, s13  }
0x31: {  	s12 =	smul.u32 $0x4080, s12;
	v1 =	vld [tilespmem:s16+$0x0]  }
0x32: {  	s30 =	sand.u32 $0x1, s10;
	v0 =	vld [tilespmem:s16+$0xFFFFFFF0]  }
0x33: {  	s13 =	smul.u32 $0x4080, s30;
	s12 =	sshrl.u32 s12, $0x2  }
0x34: {  	s14 =	sor.u32 $0x2000, s12  }
0x35: {  	s31 =	sshrl.u32 s13, $0x2;
	s13 =	sadd.s32 $0x0, s14  }
0x36: {  	s15 =	simm.s32 $0x4;
	s16 =	sadd.s32 $0x20, s16;
	s12 =	sor.u32 $0x2000, s31;
	[tilespmem:s13+$0x810 ss:$0x81] =	vst.msk $0xffff, v1  }
.LBB1_3:
0x37: {  	v1 =	vld [tilespmem:s16+$0x0];
	p1 =	sne.s32 s15, $0x1FC;
	[tilespmem:s13+$0x0 ss:$0x81] =	vst.msk $0xffff, v0;
	s13 =	smov.u32 s15;
	s15 =	sadd.s32 $0x4, s15  }
.Ltmp3:
0x38: {  	v0 =	vld [tilespmem:s16+$0xFFFFFFF0];
	(pc) =	sbr.rel @p1 .LBB1_3-.Ltmp3, $4  }
0x39: {  	_ = 	snop  }
0x3a: {  	s13 =	sshra.s32 s13, $0x2  }
0x3b: {  	s13 =	sadd.s32 s13, s14  }
0x3c: {  	s16 =	sadd.s32 $0x20, s16;
	[tilespmem:s13+$0x810 ss:$0x81] =	vst.msk $0xffff, v1  }
.Ltmp4:
0x3d: {  	_ = 	snop;
	(pc) =	sbr.rel .LBB1_4-.Ltmp4, $1  }
0x3e: {  	_ =	sdelay $0x3  }
.LBB1_6:
0x3f: {  	_ =	sfence.sel $0x180000  }
0x40: {  	s2 =	simm.s32 $0x1;
	[bflag:$0x0] =	sbarrier.arrive $0xFFFF  }
0x41: {  	s31 =	simm.s32 $0x2;
	[sflag:s2] =	ssyncpa.u1 $0x1  }
0x42: {  	[sflag:s31] =	ssyncpa.u1 $0x1  }
0x43: {  	p0 =	sne.s32 s0, $0x0;
	_ =	strace $0x9000004A  }
0x44: {  	s0 =	sadd.s32 @!p0 $0x100000, s1;
	[bflag:$0x2] =	sbarrier.arrive $0xFFFF  }
0x45: {  	[sflag:s0] =	ssyncadd.tile.s32 @!p0 $0x1;
	_ =	shalt  }
.Lfunc_end1:
_tile_overlayer_lowered:
.L_overlay_start_2:
0x46: {  	(tag) =	ssettag $0x2  }
0x47: {  	s0 =	rddreg [dreg:$0x0];
	s2 =	stileid.u32  }
0x48: {  	s1 =	rddreg [dreg:$0x1];
	p0 =	sne.s32 s2, $0x0  }
0x49: {  	s3 =	rddreg [dreg:$0x2];
	[bflag:$0x3] =	sbarrier.arrive $0xFFFF;
	s2 =	simm.s32 @!p0 $0x1C01  }
0x4a: {  	[timem:s3], [sflag:s2] =	dma.local @!p0 [hbm:s0], s1  }
0x4b: {  	s0 =	simm.s32 @!p0 $0x1  }
0x4c: {  	_ =	swait.ge @!p0 [sflag:s0], s1  }
0x4d: {  	s1 =	ssub.s32 @!p0 $0x0, s1;
	[sflag:s0] =	ssyncset.done @!p0 $0x0  }
0x4e: {  	[sflag:s0] =	ssyncadd.s32 @!p0 s1  }
0x4f: {  	[bflag:$0x3] =	sbarrier.arrive $0xFFFF  }
0x50: {  	_ =	shalt  }

</sc_bundles>
